<compile_context>
chip_gen: v7x
topology: tpu7x:2x2x1
jax: 0.10.2.dev20260603
libtpu: 0.0.44.dev20260713+nightly
codegen_flags: <defaults>
</compile_context>

<pallas_src>
import jax
import jax.numpy as jnp
from jax.experimental import pallas as pl
from jax.experimental.pallas import tpu as pltpu

_LANES = 128
_CR = 8
_SUB = 32
_THR = 0.5
_EPS = 0.01


def _nms_body(x1_ref, y1_ref, x2_ref, y2_ref, kept_ref, ar_ref):
    nrows_pad, _ = x1_ref.shape
    ngroups = nrows_pad // _CR
    kept_ref[...] = jnp.ones_like(kept_ref)
    ar_ref[...] = ((x2_ref[...] - x1_ref[...] + _EPS)
                   * (y2_ref[...] - y1_ref[...] + _EPS))

    isub = jax.lax.broadcasted_iota(jnp.int32, (_LANES, _LANES), 0)
    jlan = jax.lax.broadcasted_iota(jnp.int32, (_LANES, _LANES), 1)
    lower = isub < jlan
    upper = isub > jlan
    giota = jax.lax.broadcasted_iota(jnp.int32, (_CR, 1), 0)

    def block_step(b, _):
        x1r = x1_ref[pl.ds(b, 1), :]
        y1r = y1_ref[pl.ds(b, 1), :]
        x2r = x2_ref[pl.ds(b, 1), :]
        y2r = y2_ref[pl.ds(b, 1), :]
        arr = ar_ref[pl.ds(b, 1), :]
        x1c = jnp.transpose(x1r)
        y1c = jnp.transpose(y1r)
        x2c = jnp.transpose(x2r)
        y2c = jnp.transpose(y2r)
        arc = jnp.transpose(arr)

        xx1 = jnp.maximum(x1c, x1r)
        yy1 = jnp.maximum(y1c, y1r)
        xx2 = jnp.maximum(x2c, x2r)
        yy2 = jnp.maximum(y2c, y2r)
        w = jnp.maximum(xx2 - xx1 + _EPS, 0.0)
        h = jnp.maximum(yy2 - yy1 + _EPS, 0.0)
        inter = w * h
        iou = inter / (arc + arr - inter)
        hit = iou > _THR
        mr = hit & lower
        mc = hit & upper

        pre_row = kept_ref[pl.ds(b, 1), :]
        pre_col = jnp.transpose(pre_row)

        def resolve_cond(state):
            return state[0]

        def resolve(state):
            _, k_row, k_col = state
            sup_r = jnp.max(jnp.where(mr, k_col, 0.0), axis=0, keepdims=True)
            k_row = pre_row * (1.0 - sup_r)
            sup_c = jnp.max(jnp.where(mc, k_row, 0.0), axis=1, keepdims=True)
            k_col_n = pre_col * (1.0 - sup_c)
            return (jnp.any(k_col_n != k_col), k_row, k_col_n)

        _, k_row, k_col = jax.lax.while_loop(
            resolve_cond, resolve, (True, pre_row, pre_col))
        kept_ref[pl.ds(b, 1), :] = k_row

        alive = k_col > 0.0
        sx1 = jnp.where(alive, x1c, 9.0).reshape(1, _LANES, 1)
        sy1 = jnp.where(alive, y1c, 9.0).reshape(1, _LANES, 1)
        sx2 = jnp.where(alive, x2c, 6.0).reshape(1, _LANES, 1)
        sy2 = jnp.where(alive, y2c, 6.0).reshape(1, _LANES, 1)
        sar = jnp.where(alive, arc, 2.0).reshape(1, _LANES, 1)

        def tail(g, _):
            c0 = g * _CR
            cx1 = x1_ref[pl.ds(c0, _CR), :].reshape(_CR, 1, _LANES)
            cy1 = y1_ref[pl.ds(c0, _CR), :].reshape(_CR, 1, _LANES)
            cx2 = x2_ref[pl.ds(c0, _CR), :].reshape(_CR, 1, _LANES)
            cy2 = y2_ref[pl.ds(c0, _CR), :].reshape(_CR, 1, _LANES)
            car = ar_ref[pl.ds(c0, _CR), :].reshape(_CR, 1, _LANES)
            sup = jnp.zeros((_CR, _LANES), dtype=jnp.bool_)
            for ss in range(_LANES // _SUB):
                sl = slice(ss * _SUB, (ss + 1) * _SUB)
                txx1 = jnp.maximum(sx1[:, sl, :], cx1)
                tyy1 = jnp.maximum(sy1[:, sl, :], cy1)
                txx2 = jnp.maximum(sx2[:, sl, :], cx2)
                tyy2 = jnp.maximum(sy2[:, sl, :], cy2)
                tw = jnp.maximum(txx2 - txx1 + _EPS, 0.0)
                th = jnp.maximum(tyy2 - tyy1 + _EPS, 0.0)
                tinter = tw * th
                tiou = tinter / (sar[:, sl, :] + car - tinter)
                sup = sup | jnp.any(tiou > _THR, axis=1)
            valid = (c0 + giota) > b
            tile = kept_ref[pl.ds(c0, _CR), :]
            kept_ref[pl.ds(c0, _CR), :] = jnp.where(sup & valid, 0.0, tile)
            return 0

        jax.lax.fori_loop((b + 1) // _CR, ngroups, tail, 0)
        return 0

    jax.lax.fori_loop(0, nrows_pad, block_step, 0)


def _nms_call(x1, y1, x2, y2, interpret=False):
    return pl.pallas_call(
        _nms_body,
        out_shape=jax.ShapeDtypeStruct(x1.shape, jnp.float32),
        scratch_shapes=[pltpu.VMEM(x1.shape, jnp.float32)],
        interpret=interpret,
    )(x1, y1, x2, y2)


def kernel(boxes, scores):
    n = boxes.shape[0]
    order = jnp.argsort(-scores)
    sb = boxes[order]
    nrows = (n + _LANES - 1) // _LANES
    nrows_pad = ((nrows + _CR - 1) // _CR) * _CR
    pad = nrows_pad * _LANES - n
    cols = []
    for k in range(4):
        cols.append(jnp.pad(sb[:, k], (0, pad)).reshape(nrows_pad, _LANES))
    kept = _nms_call(*cols)
    keep_sorted = kept.reshape(-1)[:n] > 0.5
    keep = jnp.zeros((n,), bool).at[order].set(keep_sorted)
    masked = boxes * keep[:, None].astype(boxes.dtype)
    return (masked, keep)

# --- scband reference (transcript-rebuilt; emitter-appended) ---
"""Pipeline reference for scband-detection-64742337020391 (READ-ONLY COPY).

The authoritative reference and input builder live on the scoring server;
editing this copy changes nothing except your own understanding.
"""

import jax, jax.numpy as jnp
import numpy as np

N = 20000
THRESHOLD = 0.5


def _nms_keep(boxes, scores, threshold=0.5):
    n = boxes.shape[0]
    x1 = boxes[:, 0]
    y1 = boxes[:, 1]
    x2 = boxes[:, 2]
    y2 = boxes[:, 3]
    areas = (x2 - x1 + 0.01) * (y2 - y1 + 0.01)
    order = jnp.argsort(-scores)
    bx1 = x1[order]
    by1 = y1[order]
    bx2 = x2[order]
    by2 = y2[order]
    ar = areas[order]
    idx = jnp.arange(n)

    def body(i, suppressed):
        # Faithful to original: np.maximum used for xx2/yy2 as well
        xx1 = jnp.maximum(bx1[i], bx1)
        yy1 = jnp.maximum(by1[i], by1)
        xx2 = jnp.maximum(bx2[i], bx2)
        yy2 = jnp.maximum(by2[i], by2)
        w = jnp.maximum(0.0, xx2 - xx1 + 0.01)
        h = jnp.maximum(0.0, yy2 - yy1 + 0.01)
        inter = w * h
        iou = inter / (ar[i] + ar - inter)
        sup_new = (iou > threshold) & (idx > i)
        # only a non-suppressed (kept) box suppresses others
        return jnp.where(suppressed[i], suppressed, suppressed | sup_new)

    suppressed = jax.lax.fori_loop(0, n, body, jnp.zeros(n, dtype=bool))
    # map keep decisions (in score-sorted order) back to original indices
    keep = jnp.zeros(n, dtype=bool).at[order].set(~suppressed)
    return keep


def setup_inputs(seed: int = 0):
    key = jax.random.key(seed)
    k1, k2 = jax.random.split(key)
    boxes = jax.random.uniform(k1, (N, 4), dtype=jnp.float32)
    scores = jax.random.uniform(k2, (N,), dtype=jnp.float32)
    return {"boxes": boxes, "scores": scores}


def reference(boxes, scores):
    keep = _nms_keep(boxes, scores, THRESHOLD)
    masked = boxes * keep[:, None].astype(boxes.dtype)
    return (masked, keep)

if __name__ == "__main__":
    import jax
    _d = setup_inputs()
    print(jax.jit(kernel)(*tuple(_d.values())))

</pallas_src>

<mosaic_0001>
module attributes {stable_mosaic.version = 14 : i64} {
  func.func @_nms_body(%arg0: memref<160x128xf32, #tpu.memory_space<vmem>>, %arg1: memref<160x128xf32, #tpu.memory_space<vmem>>, %arg2: memref<160x128xf32, #tpu.memory_space<vmem>>, %arg3: memref<160x128xf32, #tpu.memory_space<vmem>>, %arg4: memref<160x128xf32, #tpu.memory_space<vmem>>, %arg5: memref<160x128xf32, #tpu.memory_space<vmem>>) attributes {dimension_semantics = [], scalar_prefetch = 0 : i64, scratch_operands = 1 : i64, tpu.core_type = #tpu.core_type<tc>} {
    %broadcast_in_dim3A = arith.constant 1.000000e+00 : f32
    %broadcast_in_dim3A_0 = vector.broadcast %broadcast_in_dim3A : f32 to vector<160x128xf32>
    %swap3A = arith.constant 0 : index
    %swap3A_1 = arith.constant 0 : index
    %swap3A_2 = vector.load %arg4[%swap3A, %swap3A_1] : memref<160x128xf32, #tpu.memory_space<vmem>>, vector<160x128xf32>
    tpu.vector_store %arg4[%swap3A, %swap3A_1], %broadcast_in_dim3A_0 {strides = array<i32>} : memref<160x128xf32, #tpu.memory_space<vmem>>, vector<160x128xf32>,
    %get3A = arith.constant 0 : index
    %get3A_3 = arith.constant 0 : index
    %get3A_4 = vector.load %arg2[%get3A, %get3A_3] : memref<160x128xf32, #tpu.memory_space<vmem>>, vector<160x128xf32>
    %get3A_5 = arith.constant 0 : index
    %get3A_6 = arith.constant 0 : index
    %get3A_7 = vector.load %arg0[%get3A_5, %get3A_6] : memref<160x128xf32, #tpu.memory_space<vmem>>, vector<160x128xf32>
    %sub3A = arith.subf %get3A_4, %get3A_7 : vector<160x128xf32>
    %add3A = arith.constant 0.00999999977 : f32
    %add3A_8 = vector.broadcast %add3A : f32 to vector<160x128xf32>
    %add3A_9 = arith.addf %sub3A, %add3A_8 : vector<160x128xf32>
    %get3A_10 = arith.constant 0 : index
    %get3A_11 = arith.constant 0 : index
    %get3A_12 = vector.load %arg3[%get3A_10, %get3A_11] : memref<160x128xf32, #tpu.memory_space<vmem>>, vector<160x128xf32>
    %get3A_13 = arith.constant 0 : index
    %get3A_14 = arith.constant 0 : index
    %get3A_15 = vector.load %arg1[%get3A_13, %get3A_14] : memref<160x128xf32, #tpu.memory_space<vmem>>, vector<160x128xf32>
    %sub3A_16 = arith.subf %get3A_12, %get3A_15 : vector<160x128xf32>
    %add3A_17 = arith.constant 0.00999999977 : f32
    %add3A_18 = vector.broadcast %add3A_17 : f32 to vector<160x128xf32>
    %add3A_19 = arith.addf %sub3A_16, %add3A_18 : vector<160x128xf32>
    %mul3A = arith.mulf %add3A_9, %add3A_19 : vector<160x128xf32>
    %swap3A_20 = arith.constant 0 : index
    %swap3A_21 = arith.constant 0 : index
    %swap3A_22 = vector.load %arg5[%swap3A_20, %swap3A_21] : memref<160x128xf32, #tpu.memory_space<vmem>>, vector<160x128xf32>
    tpu.vector_store %arg5[%swap3A_20, %swap3A_21], %mul3A {strides = array<i32>} : memref<160x128xf32, #tpu.memory_space<vmem>>, vector<160x128xf32>,
    %iota3A = tpu.iota {dimensions = array<i32: 0>} : vector<128x128xi32>
    %iota3A_23 = tpu.iota {dimensions = array<i32: 1>} : vector<128x128xi32>
    %lt3A = arith.cmpi slt, %iota3A, %iota3A_23 : vector<128x128xi32>
    %gt3A = arith.cmpi sgt, %iota3A, %iota3A_23 : vector<128x128xi32>
    %iota3A_24 = tpu.iota {dimensions = array<i32: 0>} : vector<8x1xi32>
    %scan3A = arith.constant 0 : i32
    %scan3A_25 = arith.constant 160 : i32
    %scan3A_26 = arith.addi %scan3A, %scan3A_25 : i32
    %scan3A_27 = arith.constant 1 : i32
    scf.for %scan3A_29 = %scan3A to %scan3A_26 step %scan3A_27  : i32 {
      %get3A_30 = arith.index_cast %scan3A_29 : i32 to index
      %get3A_31 = arith.constant 0 : index
      %get3A_32 = vector.load %arg0[%get3A_30, %get3A_31] : memref<160x128xf32, #tpu.memory_space<vmem>>, vector<1x128xf32>
      %get3A_33 = arith.index_cast %scan3A_29 : i32 to index
      %get3A_34 = arith.constant 0 : index
      %get3A_35 = vector.load %arg1[%get3A_33, %get3A_34] : memref<160x128xf32, #tpu.memory_space<vmem>>, vector<1x128xf32>
      %get3A_36 = arith.index_cast %scan3A_29 : i32 to index
      %get3A_37 = arith.constant 0 : index
      %get3A_38 = vector.load %arg2[%get3A_36, %get3A_37] : memref<160x128xf32, #tpu.memory_space<vmem>>, vector<1x128xf32>
      %get3A_39 = arith.index_cast %scan3A_29 : i32 to index
      %get3A_40 = arith.constant 0 : index
      %get3A_41 = vector.load %arg3[%get3A_39, %get3A_40] : memref<160x128xf32, #tpu.memory_space<vmem>>, vector<1x128xf32>
      %get3A_42 = arith.index_cast %scan3A_29 : i32 to index
      %get3A_43 = arith.constant 0 : index
      %get3A_44 = vector.load %arg5[%get3A_42, %get3A_43] : memref<160x128xf32, #tpu.memory_space<vmem>>, vector<1x128xf32>
      %transpose3A = tpu.transpose %get3A_32, [1, 0] : vector<1x128xf32> -> vector<128x1xf32>
      %transpose3A_45 = tpu.transpose %get3A_35, [1, 0] : vector<1x128xf32> -> vector<128x1xf32>
      %transpose3A_46 = tpu.transpose %get3A_38, [1, 0] : vector<1x128xf32> -> vector<128x1xf32>
      %transpose3A_47 = tpu.transpose %get3A_41, [1, 0] : vector<1x128xf32> -> vector<128x1xf32>
      %transpose3A_48 = tpu.transpose %get3A_44, [1, 0] : vector<1x128xf32> -> vector<128x1xf32>
      %max3A = vector.broadcast %transpose3A : vector<128x1xf32> to vector<128x128xf32>
      %max3A_49 = vector.broadcast %get3A_32 : vector<1x128xf32> to vector<128x128xf32>
      %max3A_50 = arith.maximumf %max3A, %max3A_49 : vector<128x128xf32>
      %max3A_51 = vector.broadcast %transpose3A_45 : vector<128x1xf32> to vector<128x128xf32>
      %max3A_52 = vector.broadcast %get3A_35 : vector<1x128xf32> to vector<128x128xf32>
      %max3A_53 = arith.maximumf %max3A_51, %max3A_52 : vector<128x128xf32>
      %max3A_54 = vector.broadcast %transpose3A_46 : vector<128x1xf32> to vector<128x128xf32>
      %max3A_55 = vector.broadcast %get3A_38 : vector<1x128xf32> to vector<128x128xf32>
      %max3A_56 = arith.maximumf %max3A_54, %max3A_55 : vector<128x128xf32>
      %max3A_57 = vector.broadcast %transpose3A_47 : vector<128x1xf32> to vector<128x128xf32>
      %max3A_58 = vector.broadcast %get3A_41 : vector<1x128xf32> to vector<128x128xf32>
      %max3A_59 = arith.maximumf %max3A_57, %max3A_58 : vector<128x128xf32>
      %sub3A_60 = arith.subf %max3A_56, %max3A_50 : vector<128x128xf32>
      %add3A_61 = arith.constant 0.00999999977 : f32
      %add3A_62 = vector.broadcast %add3A_61 : f32 to vector<128x128xf32>
      %add3A_63 = arith.addf %sub3A_60, %add3A_62 : vector<128x128xf32>
      %max3A_64 = arith.constant 0.000000e+00 : f32
      %max3A_65 = vector.broadcast %max3A_64 : f32 to vector<128x128xf32>
      %max3A_66 = arith.maximumf %add3A_63, %max3A_65 : vector<128x128xf32>
      %sub3A_67 = arith.subf %max3A_59, %max3A_53 : vector<128x128xf32>
      %add3A_68 = arith.constant 0.00999999977 : f32
      %add3A_69 = vector.broadcast %add3A_68 : f32 to vector<128x128xf32>
      %add3A_70 = arith.addf %sub3A_67, %add3A_69 : vector<128x128xf32>
      %max3A_71 = arith.constant 0.000000e+00 : f32
      %max3A_72 = vector.broadcast %max3A_71 : f32 to vector<128x128xf32>
      %max3A_73 = arith.maximumf %add3A_70, %max3A_72 : vector<128x128xf32>
      %mul3A_74 = arith.mulf %max3A_66, %max3A_73 : vector<128x128xf32>
      %add3A_75 = vector.broadcast %transpose3A_48 : vector<128x1xf32> to vector<128x128xf32>
      %add3A_76 = vector.broadcast %get3A_44 : vector<1x128xf32> to vector<128x128xf32>
      %add3A_77 = arith.addf %add3A_75, %add3A_76 : vector<128x128xf32>
      %sub3A_78 = arith.subf %add3A_77, %mul3A_74 : vector<128x128xf32>
      %div3A = arith.divf %mul3A_74, %sub3A_78 : vector<128x128xf32>
      %gt3A_79 = arith.constant 5.000000e-01 : f32
      %gt3A_80 = vector.broadcast %gt3A_79 : f32 to vector<128x128xf32>
      %gt3A_81 = arith.cmpf ogt, %div3A, %gt3A_80 : vector<128x128xf32>
      %and3A = arith.andi %gt3A_81, %lt3A : vector<128x128xi1>
      %and3A_82 = arith.andi %gt3A_81, %gt3A : vector<128x128xi1>
      %get3A_83 = arith.index_cast %scan3A_29 : i32 to index
      %get3A_84 = arith.constant 0 : index
      %get3A_85 = vector.load %arg4[%get3A_83, %get3A_84] : memref<160x128xf32, #tpu.memory_space<vmem>>, vector<1x128xf32>
      %transpose3A_86 = tpu.transpose %get3A_85, [1, 0] : vector<1x128xf32> -> vector<128x1xf32>
      %while3A = arith.constant true
      %while3A_87:3 = scf.while (%while3A_146 = %while3A, %while3A_147 = %get3A_85, %while3A_148 = %transpose3A_86) : (i1, vector<1x128xf32>, vector<128x1xf32>) -> (i1, vector<1x128xf32>, vector<128x1xf32>) {
        scf.condition(%while3A_146) %while3A_146, %while3A_147, %while3A_148 : i1, vector<1x128xf32>, vector<128x1xf32>
      } do {
      ^bb0(%while3A_146: i1, %while3A_147: vector<1x128xf32>, %while3A_148: vector<128x1xf32>):
        %jit3A_149 = arith.constant 0.000000e+00 : f32
        %broadcast_in_dim3A_150 = vector.shape_cast %while3A_148 : vector<128x1xf32> to vector<128x1xf32>
        %broadcast_in_dim3A_151 = vector.broadcast %broadcast_in_dim3A_150 : vector<128x1xf32> to vector<128x128xf32>
        %broadcast_in_dim3A_152 = vector.broadcast %jit3A_149 : f32 to vector<128x128xf32>
        %select_n3A_153 = arith.select %and3A, %broadcast_in_dim3A_151, %broadcast_in_dim3A_152 : vector<128x128xi1>, vector<128x128xf32>
        %reduce_max3A = arith.constant dense<0xFF800000> : vector<128xf32>
        %reduce_max3A_154 = vector.multi_reduction <maximumf>, %select_n3A_153, %reduce_max3A [0] : vector<128x128xf32> to vector<128xf32>
        %broadcast_in_dim3A_155 = vector.shape_cast %reduce_max3A_154 : vector<128xf32> to vector<1x128xf32>
        %sub3A_156 = arith.constant 1.000000e+00 : f32
        %sub3A_157 = vector.broadcast %sub3A_156 : f32 to vector<1x128xf32>
        %sub3A_158 = arith.subf %sub3A_157, %broadcast_in_dim3A_155 : vector<1x128xf32>
        %mul3A_159 = arith.mulf %get3A_85, %sub3A_158 : vector<1x128xf32>
        %jit3A_160 = arith.constant 0.000000e+00 : f32
        %broadcast_in_dim3A_161 = vector.shape_cast %mul3A_159 : vector<1x128xf32> to vector<1x128xf32>
        %broadcast_in_dim3A_162 = vector.broadcast %broadcast_in_dim3A_161 : vector<1x128xf32> to vector<128x128xf32>
        %broadcast_in_dim3A_163 = vector.broadcast %jit3A_160 : f32 to vector<128x128xf32>
        %select_n3A_164 = arith.select %and3A_82, %broadcast_in_dim3A_162, %broadcast_in_dim3A_163 : vector<128x128xi1>, vector<128x128xf32>
        %reduce_max3A_165 = arith.constant dense<0xFF800000> : vector<128xf32>
        %reduce_max3A_166 = vector.multi_reduction <maximumf>, %select_n3A_164, %reduce_max3A_165 [1] : vector<128x128xf32> to vector<128xf32>
        %broadcast_in_dim3A_167 = vector.shape_cast %reduce_max3A_166 : vector<128xf32> to vector<128x1xf32>
        %sub3A_168 = arith.constant 1.000000e+00 : f32
        %sub3A_169 = vector.broadcast %sub3A_168 : f32 to vector<128x1xf32>
        %sub3A_170 = arith.subf %sub3A_169, %broadcast_in_dim3A_167 : vector<128x1xf32>
        %mul3A_171 = arith.mulf %transpose3A_86, %sub3A_170 : vector<128x1xf32>
        %ne3A_172 = arith.cmpf one, %mul3A_171, %while3A_148 : vector<128x1xf32>
        %reduce_or3A = arith.constant 1.000000e+00 : f32
        %reduce_or3A_173 = arith.constant 0.000000e+00 : f32
        %reduce_or3A_174 = vector.broadcast %reduce_or3A : f32 to vector<128x1xf32>
        %reduce_or3A_175 = vector.broadcast %reduce_or3A_173 : f32 to vector<128x1xf32>
        %reduce_or3A_176 = arith.select %ne3A_172, %reduce_or3A_174, %reduce_or3A_175 : vector<128x1xi1>, vector<128x1xf32>
        %reduce_or3A_177 = vector.shape_cast %reduce_or3A_176 : vector<128x1xf32> to vector<1x128x1xf32>
        %reduce_or3A_178 = arith.constant dense<0xFF800000> : vector<1xf32>
        %reduce_or3A_179 = vector.multi_reduction <maximumf>, %reduce_or3A_177, %reduce_or3A_178 [1, 2] : vector<1x128x1xf32> to vector<1xf32>
        %reduce_or3A_180 = vector.shape_cast %reduce_or3A_179 : vector<1xf32> to vector<1x1x1xf32>
        %reduce_or3A_181 = vector.extract %reduce_or3A_180[0, 0, 0] : f32 from vector<1x1x1xf32>
        %reduce_or3A_182 = arith.constant 0.000000e+00 : f32
        %reduce_or3A_183 = arith.cmpf ogt, %reduce_or3A_181, %reduce_or3A_182 : f32
        scf.yield %reduce_or3A_183, %mul3A_159, %mul3A_171 : i1, vector<1x128xf32>, vector<128x1xf32>
      }
      %swap3A_88 = arith.index_cast %scan3A_29 : i32 to index
      %swap3A_89 = arith.constant 0 : index
      %swap3A_90 = vector.load %arg4[%swap3A_88, %swap3A_89] : memref<160x128xf32, #tpu.memory_space<vmem>>, vector<1x128xf32>
      tpu.vector_store %arg4[%swap3A_88, %swap3A_89], %while3A_87#1 {strides = array<i32>} : memref<160x128xf32, #tpu.memory_space<vmem>>, vector<1x128xf32>,
      %gt3A_91 = arith.constant 0.000000e+00 : f32
      %gt3A_92 = vector.broadcast %gt3A_91 : f32 to vector<128x1xf32>
      %gt3A_93 = arith.cmpf ogt, %while3A_87#2, %gt3A_92 : vector<128x1xf32>
      %jit3A = arith.constant 9.000000e+00 : f32
      %broadcast_in_dim3A_94 = vector.broadcast %jit3A : f32 to vector<128x1xf32>
      %select_n3A = arith.select %gt3A_93, %transpose3A, %broadcast_in_dim3A_94 : vector<128x1xi1>, vector<128x1xf32>
      %reshape3A = vector.shape_cast %select_n3A : vector<128x1xf32> to vector<1x128x1xf32>
      %jit3A_95 = arith.constant 9.000000e+00 : f32
      %broadcast_in_dim3A_96 = vector.broadcast %jit3A_95 : f32 to vector<128x1xf32>
      %select_n3A_97 = arith.select %gt3A_93, %transpose3A_45, %broadcast_in_dim3A_96 : vector<128x1xi1>, vector<128x1xf32>
      %reshape3A_98 = vector.shape_cast %select_n3A_97 : vector<128x1xf32> to vector<1x128x1xf32>
      %jit3A_99 = arith.constant 6.000000e+00 : f32
      %broadcast_in_dim3A_100 = vector.broadcast %jit3A_99 : f32 to vector<128x1xf32>
      %select_n3A_101 = arith.select %gt3A_93, %transpose3A_46, %broadcast_in_dim3A_100 : vector<128x1xi1>, vector<128x1xf32>
      %reshape3A_102 = vector.shape_cast %select_n3A_101 : vector<128x1xf32> to vector<1x128x1xf32>
      %jit3A_103 = arith.constant 6.000000e+00 : f32
      %broadcast_in_dim3A_104 = vector.broadcast %jit3A_103 : f32 to vector<128x1xf32>
      %select_n3A_105 = arith.select %gt3A_93, %transpose3A_47, %broadcast_in_dim3A_104 : vector<128x1xi1>, vector<128x1xf32>
      %reshape3A_106 = vector.shape_cast %select_n3A_105 : vector<128x1xf32> to vector<1x128x1xf32>
      %jit3A_107 = arith.constant 2.000000e+00 : f32
      %broadcast_in_dim3A_108 = vector.broadcast %jit3A_107 : f32 to vector<128x1xf32>
      %select_n3A_109 = arith.select %gt3A_93, %transpose3A_48, %broadcast_in_dim3A_108 : vector<128x1xi1>, vector<128x1xf32>
      %reshape3A_110 = vector.shape_cast %select_n3A_109 : vector<128x1xf32> to vector<1x128x1xf32>
      %add3A_111 = arith.constant 1 : i32
      %add3A_112 = arith.addi %scan3A_29, %add3A_111 : i32
      %jit3A_113 = arith.constant 8 : i32
      %div3A_114 = arith.divsi %add3A_112, %jit3A_113 : i32
      %sign3A = arith.constant 0 : i32
      %sign3A_115 = arith.cmpi sgt, %add3A_112, %sign3A : i32
      %sign3A_116 = arith.extui %sign3A_115 : i1 to i32
      %sign3A_117 = arith.constant 0 : i32
      %sign3A_118 = arith.cmpi slt, %add3A_112, %sign3A_117 : i32
      %sign3A_119 = arith.extui %sign3A_118 : i1 to i32
      %sign3A_120 = arith.subi %sign3A_116, %sign3A_119 : i32
      %sign3A_121 = arith.constant 0 : i32
      %sign3A_122 = arith.cmpi sgt, %jit3A_113, %sign3A_121 : i32
      %sign3A_123 = arith.extui %sign3A_122 : i1 to i32
      %sign3A_124 = arith.constant 0 : i32
      %sign3A_125 = arith.cmpi slt, %jit3A_113, %sign3A_124 : i32
      %sign3A_126 = arith.extui %sign3A_125 : i1 to i32
      %sign3A_127 = arith.subi %sign3A_123, %sign3A_126 : i32
      %ne3A = arith.cmpi ne, %sign3A_120, %sign3A_127 : i32
      %rem3A = arith.remsi %add3A_112, %jit3A_113 : i32
      %ne3A_128 = arith.constant 0 : i32
      %ne3A_129 = arith.cmpi ne, %rem3A, %ne3A_128 : i32
      %and3A_130 = arith.andi %ne3A, %ne3A_129 : i1
      %sub3A_131 = arith.constant 1 : i32
      %sub3A_132 = arith.subi %div3A_114, %sub3A_131 : i32
      %select_n3A_133 = arith.select %and3A_130, %sub3A_132, %div3A_114 : i32
      %while3A_134 = arith.constant 20 : i32
      %while3A_135 = arith.constant 0 : i32
      %while3A_136 = arith.subi %while3A_134, %select_n3A_133 : i32
      %while3A_137 = arith.addi %select_n3A_133, %while3A_136 : i32
      %while3A_138 = arith.constant 1 : i32
      %while3A_139 = arith.divsi %while3A_136, %while3A_138 : i32
      %while3A_140 = arith.muli %while3A_139, %while3A_138 : i32
      %while3A_141 = arith.addi %select_n3A_133, %while3A_140 : i32
      %while3A_142 = arith.constant 1 : i32
      %while3A_143 = scf.for %while3A_146 = %select_n3A_133 to %while3A_141 step %while3A_142 iter_args(%while3A_147 = %while3A_135) -> (i32)  : i32 {
        %mul3A_148 = arith.constant 8 : i32
        %mul3A_149 = arith.muli %while3A_146, %mul3A_148 : i32
        %get3A_150 = arith.index_cast %mul3A_149 : i32 to index
        %get3A_151 = arith.constant 0 : index
        %get3A_152 = vector.load %arg0[%get3A_150, %get3A_151] : memref<160x128xf32, #tpu.memory_space<vmem>>, vector<8x128xf32>
        %reshape3A_153 = vector.shape_cast %get3A_152 : vector<8x128xf32> to vector<8x1x128xf32>
        %get3A_154 = arith.index_cast %mul3A_149 : i32 to index
        %get3A_155 = arith.constant 0 : index
        %get3A_156 = vector.load %arg1[%get3A_154, %get3A_155] : memref<160x128xf32, #tpu.memory_space<vmem>>, vector<8x128xf32>
        %reshape3A_157 = vector.shape_cast %get3A_156 : vector<8x128xf32> to vector<8x1x128xf32>
        %get3A_158 = arith.index_cast %mul3A_149 : i32 to index
        %get3A_159 = arith.constant 0 : index
        %get3A_160 = vector.load %arg2[%get3A_158, %get3A_159] : memref<160x128xf32, #tpu.memory_space<vmem>>, vector<8x128xf32>
        %reshape3A_161 = vector.shape_cast %get3A_160 : vector<8x128xf32> to vector<8x1x128xf32>
        %get3A_162 = arith.index_cast %mul3A_149 : i32 to index
        %get3A_163 = arith.constant 0 : index
        %get3A_164 = vector.load %arg3[%get3A_162, %get3A_163] : memref<160x128xf32, #tpu.memory_space<vmem>>, vector<8x128xf32>
        %reshape3A_165 = vector.shape_cast %get3A_164 : vector<8x128xf32> to vector<8x1x128xf32>
        %get3A_166 = arith.index_cast %mul3A_149 : i32 to index
        %get3A_167 = arith.constant 0 : index
        %get3A_168 = vector.load %arg5[%get3A_166, %get3A_167] : memref<160x128xf32, #tpu.memory_space<vmem>>, vector<8x128xf32>
        %reshape3A_169 = vector.shape_cast %get3A_168 : vector<8x128xf32> to vector<8x1x128xf32>
        %broadcast_in_dim3A_170 = arith.constant false
        %broadcast_in_dim3A_171 = vector.broadcast %broadcast_in_dim3A_170 : i1 to vector<8x128xi1>
        %slice3A = vector.extract_strided_slice %reshape3A {offsets = [0, 0, 0], sizes = [1, 32, 1], strides = [1, 1, 1]} : vector<1x128x1xf32> to vector<1x32x1xf32>
        %max3A_172 = vector.broadcast %slice3A : vector<1x32x1xf32> to vector<8x32x128xf32>
        %max3A_173 = vector.broadcast %reshape3A_153 : vector<8x1x128xf32> to vector<8x32x128xf32>
        %max3A_174 = arith.maximumf %max3A_172, %max3A_173 : vector<8x32x128xf32>
        %slice3A_175 = vector.extract_strided_slice %reshape3A_98 {offsets = [0, 0, 0], sizes = [1, 32, 1], strides = [1, 1, 1]} : vector<1x128x1xf32> to vector<1x32x1xf32>
        %max3A_176 = vector.broadcast %slice3A_175 : vector<1x32x1xf32> to vector<8x32x128xf32>
        %max3A_177 = vector.broadcast %reshape3A_157 : vector<8x1x128xf32> to vector<8x32x128xf32>
        %max3A_178 = arith.maximumf %max3A_176, %max3A_177 : vector<8x32x128xf32>
        %slice3A_179 = vector.extract_strided_slice %reshape3A_102 {offsets = [0, 0, 0], sizes = [1, 32, 1], strides = [1, 1, 1]} : vector<1x128x1xf32> to vector<1x32x1xf32>
        %max3A_180 = vector.broadcast %slice3A_179 : vector<1x32x1xf32> to vector<8x32x128xf32>
        %max3A_181 = vector.broadcast %reshape3A_161 : vector<8x1x128xf32> to vector<8x32x128xf32>
        %max3A_182 = arith.maximumf %max3A_180, %max3A_181 : vector<8x32x128xf32>
        %slice3A_183 = vector.extract_strided_slice %reshape3A_106 {offsets = [0, 0, 0], sizes = [1, 32, 1], strides = [1, 1, 1]} : vector<1x128x1xf32> to vector<1x32x1xf32>
        %max3A_184 = vector.broadcast %slice3A_183 : vector<1x32x1xf32> to vector<8x32x128xf32>
        %max3A_185 = vector.broadcast %reshape3A_165 : vector<8x1x128xf32> to vector<8x32x128xf32>
        %max3A_186 = arith.maximumf %max3A_184, %max3A_185 : vector<8x32x128xf32>
        %sub3A_187 = arith.subf %max3A_182, %max3A_174 : vector<8x32x128xf32>
        %add3A_188 = arith.constant 0.00999999977 : f32
        %add3A_189 = vector.broadcast %add3A_188 : f32 to vector<8x32x128xf32>
        %add3A_190 = arith.addf %sub3A_187, %add3A_189 : vector<8x32x128xf32>
        %max3A_191 = arith.constant 0.000000e+00 : f32
        %max3A_192 = vector.broadcast %max3A_191 : f32 to vector<8x32x128xf32>
        %max3A_193 = arith.maximumf %add3A_190, %max3A_192 : vector<8x32x128xf32>
        %sub3A_194 = arith.subf %max3A_186, %max3A_178 : vector<8x32x128xf32>
        %add3A_195 = arith.constant 0.00999999977 : f32
        %add3A_196 = vector.broadcast %add3A_195 : f32 to vector<8x32x128xf32>
        %add3A_197 = arith.addf %sub3A_194, %add3A_196 : vector<8x32x128xf32>
        %max3A_198 = arith.constant 0.000000e+00 : f32
        %max3A_199 = vector.broadcast %max3A_198 : f32 to vector<8x32x128xf32>
        %max3A_200 = arith.maximumf %add3A_197, %max3A_199 : vector<8x32x128xf32>
        %mul3A_201 = arith.mulf %max3A_193, %max3A_200 : vector<8x32x128xf32>
        %slice3A_202 = vector.extract_strided_slice %reshape3A_110 {offsets = [0, 0, 0], sizes = [1, 32, 1], strides = [1, 1, 1]} : vector<1x128x1xf32> to vector<1x32x1xf32>
        %add3A_203 = vector.broadcast %slice3A_202 : vector<1x32x1xf32> to vector<8x32x128xf32>
        %add3A_204 = vector.broadcast %reshape3A_169 : vector<8x1x128xf32> to vector<8x32x128xf32>
        %add3A_205 = arith.addf %add3A_203, %add3A_204 : vector<8x32x128xf32>
        %sub3A_206 = arith.subf %add3A_205, %mul3A_201 : vector<8x32x128xf32>
        %div3A_207 = arith.divf %mul3A_201, %sub3A_206 : vector<8x32x128xf32>
        %gt3A_208 = arith.constant 5.000000e-01 : f32
        %gt3A_209 = vector.broadcast %gt3A_208 : f32 to vector<8x32x128xf32>
        %gt3A_210 = arith.cmpf ogt, %div3A_207, %gt3A_209 : vector<8x32x128xf32>
        %reduce_or3A = arith.constant 1.000000e+00 : f32
        %reduce_or3A_211 = arith.constant 0.000000e+00 : f32
        %reduce_or3A_212 = vector.broadcast %reduce_or3A : f32 to vector<8x32x128xf32>
        %reduce_or3A_213 = vector.broadcast %reduce_or3A_211 : f32 to vector<8x32x128xf32>
        %reduce_or3A_214 = arith.select %gt3A_210, %reduce_or3A_212, %reduce_or3A_213 : vector<8x32x128xi1>, vector<8x32x128xf32>
        %reduce_or3A_215 = arith.constant dense<0xFF800000> : vector<8x128xf32>
        %reduce_or3A_216 = vector.multi_reduction <maximumf>, %reduce_or3A_214, %reduce_or3A_215 [1] : vector<8x32x128xf32> to vector<8x128xf32>
        %reduce_or3A_217 = arith.constant 0.000000e+00 : f32
        %reduce_or3A_218 = vector.broadcast %reduce_or3A_217 : f32 to vector<8x128xf32>
        %reduce_or3A_219 = arith.cmpf ogt, %reduce_or3A_216, %reduce_or3A_218 : vector<8x128xf32>
        %or3A = arith.ori %broadcast_in_dim3A_171, %reduce_or3A_219 : vector<8x128xi1>
        %slice3A_220 = vector.extract_strided_slice %reshape3A {offsets = [0, 32, 0], sizes = [1, 32, 1], strides = [1, 1, 1]} : vector<1x128x1xf32> to vector<1x32x1xf32>
        %max3A_221 = vector.broadcast %slice3A_220 : vector<1x32x1xf32> to vector<8x32x128xf32>
        %max3A_222 = vector.broadcast %reshape3A_153 : vector<8x1x128xf32> to vector<8x32x128xf32>
        %max3A_223 = arith.maximumf %max3A_221, %max3A_222 : vector<8x32x128xf32>
        %slice3A_224 = vector.extract_strided_slice %reshape3A_98 {offsets = [0, 32, 0], sizes = [1, 32, 1], strides = [1, 1, 1]} : vector<1x128x1xf32> to vector<1x32x1xf32>
        %max3A_225 = vector.broadcast %slice3A_224 : vector<1x32x1xf32> to vector<8x32x128xf32>
        %max3A_226 = vector.broadcast %reshape3A_157 : vector<8x1x128xf32> to vector<8x32x128xf32>
        %max3A_227 = arith.maximumf %max3A_225, %max3A_226 : vector<8x32x128xf32>
        %slice3A_228 = vector.extract_strided_slice %reshape3A_102 {offsets = [0, 32, 0], sizes = [1, 32, 1], strides = [1, 1, 1]} : vector<1x128x1xf32> to vector<1x32x1xf32>
        %max3A_229 = vector.broadcast %slice3A_228 : vector<1x32x1xf32> to vector<8x32x128xf32>
        %max3A_230 = vector.broadcast %reshape3A_161 : vector<8x1x128xf32> to vector<8x32x128xf32>
        %max3A_231 = arith.maximumf %max3A_229, %max3A_230 : vector<8x32x128xf32>
        %slice3A_232 = vector.extract_strided_slice %reshape3A_106 {offsets = [0, 32, 0], sizes = [1, 32, 1], strides = [1, 1, 1]} : vector<1x128x1xf32> to vector<1x32x1xf32>
        %max3A_233 = vector.broadcast %slice3A_232 : vector<1x32x1xf32> to vector<8x32x128xf32>
        %max3A_234 = vector.broadcast %reshape3A_165 : vector<8x1x128xf32> to vector<8x32x128xf32>
        %max3A_235 = arith.maximumf %max3A_233, %max3A_234 : vector<8x32x128xf32>
        %sub3A_236 = arith.subf %max3A_231, %max3A_223 : vector<8x32x128xf32>
        %add3A_237 = arith.constant 0.00999999977 : f32
        %add3A_238 = vector.broadcast %add3A_237 : f32 to vector<8x32x128xf32>
        %add3A_239 = arith.addf %sub3A_236, %add3A_238 : vector<8x32x128xf32>
        %max3A_240 = arith.constant 0.000000e+00 : f32
        %max3A_241 = vector.broadcast %max3A_240 : f32 to vector<8x32x128xf32>
        %max3A_242 = arith.maximumf %add3A_239, %max3A_241 : vector<8x32x128xf32>
        %sub3A_243 = arith.subf %max3A_235, %max3A_227 : vector<8x32x128xf32>
        %add3A_244 = arith.constant 0.00999999977 : f32
        %add3A_245 = vector.broadcast %add3A_244 : f32 to vector<8x32x128xf32>
        %add3A_246 = arith.addf %sub3A_243, %add3A_245 : vector<8x32x128xf32>
        %max3A_247 = arith.constant 0.000000e+00 : f32
        %max3A_248 = vector.broadcast %max3A_247 : f32 to vector<8x32x128xf32>
        %max3A_249 = arith.maximumf %add3A_246, %max3A_248 : vector<8x32x128xf32>
        %mul3A_250 = arith.mulf %max3A_242, %max3A_249 : vector<8x32x128xf32>
        %slice3A_251 = vector.extract_strided_slice %reshape3A_110 {offsets = [0, 32, 0], sizes = [1, 32, 1], strides = [1, 1, 1]} : vector<1x128x1xf32> to vector<1x32x1xf32>
        %add3A_252 = vector.broadcast %slice3A_251 : vector<1x32x1xf32> to vector<8x32x128xf32>
        %add3A_253 = vector.broadcast %reshape3A_169 : vector<8x1x128xf32> to vector<8x32x128xf32>
        %add3A_254 = arith.addf %add3A_252, %add3A_253 : vector<8x32x128xf32>
        %sub3A_255 = arith.subf %add3A_254, %mul3A_250 : vector<8x32x128xf32>
        %div3A_256 = arith.divf %mul3A_250, %sub3A_255 : vector<8x32x128xf32>
        %gt3A_257 = arith.constant 5.000000e-01 : f32
        %gt3A_258 = vector.broadcast %gt3A_257 : f32 to vector<8x32x128xf32>
        %gt3A_259 = arith.cmpf ogt, %div3A_256, %gt3A_258 : vector<8x32x128xf32>
        %reduce_or3A_260 = arith.constant 1.000000e+00 : f32
        %reduce_or3A_261 = arith.constant 0.000000e+00 : f32
        %reduce_or3A_262 = vector.broadcast %reduce_or3A_260 : f32 to vector<8x32x128xf32>
        %reduce_or3A_263 = vector.broadcast %reduce_or3A_261 : f32 to vector<8x32x128xf32>
        %reduce_or3A_264 = arith.select %gt3A_259, %reduce_or3A_262, %reduce_or3A_263 : vector<8x32x128xi1>, vector<8x32x128xf32>
        %reduce_or3A_265 = arith.constant dense<0xFF800000> : vector<8x128xf32>
        %reduce_or3A_266 = vector.multi_reduction <maximumf>, %reduce_or3A_264, %reduce_or3A_265 [1] : vector<8x32x128xf32> to vector<8x128xf32>
        %reduce_or3A_267 = arith.constant 0.000000e+00 : f32
        %reduce_or3A_268 = vector.broadcast %reduce_or3A_267 : f32 to vector<8x128xf32>
        %reduce_or3A_269 = arith.cmpf ogt, %reduce_or3A_266, %reduce_or3A_268 : vector<8x128xf32>
        %or3A_270 = arith.ori %or3A, %reduce_or3A_269 : vector<8x128xi1>
        %slice3A_271 = vector.extract_strided_slice %reshape3A {offsets = [0, 64, 0], sizes = [1, 32, 1], strides = [1, 1, 1]} : vector<1x128x1xf32> to vector<1x32x1xf32>
        %max3A_272 = vector.broadcast %slice3A_271 : vector<1x32x1xf32> to vector<8x32x128xf32>
        %max3A_273 = vector.broadcast %reshape3A_153 : vector<8x1x128xf32> to vector<8x32x128xf32>
        %max3A_274 = arith.maximumf %max3A_272, %max3A_273 : vector<8x32x128xf32>
        %slice3A_275 = vector.extract_strided_slice %reshape3A_98 {offsets = [0, 64, 0], sizes = [1, 32, 1], strides = [1, 1, 1]} : vector<1x128x1xf32> to vector<1x32x1xf32>
        %max3A_276 = vector.broadcast %slice3A_275 : vector<1x32x1xf32> to vector<8x32x128xf32>
        %max3A_277 = vector.broadcast %reshape3A_157 : vector<8x1x128xf32> to vector<8x32x128xf32>
        %max3A_278 = arith.maximumf %max3A_276, %max3A_277 : vector<8x32x128xf32>
        %slice3A_279 = vector.extract_strided_slice %reshape3A_102 {offsets = [0, 64, 0], sizes = [1, 32, 1], strides = [1, 1, 1]} : vector<1x128x1xf32> to vector<1x32x1xf32>
        %max3A_280 = vector.broadcast %slice3A_279 : vector<1x32x1xf32> to vector<8x32x128xf32>
        %max3A_281 = vector.broadcast %reshape3A_161 : vector<8x1x128xf32> to vector<8x32x128xf32>
        %max3A_282 = arith.maximumf %max3A_280, %max3A_281 : vector<8x32x128xf32>
        %slice3A_283 = vector.extract_strided_slice %reshape3A_106 {offsets = [0, 64, 0], sizes = [1, 32, 1], strides = [1, 1, 1]} : vector<1x128x1xf32> to vector<1x32x1xf32>
        %max3A_284 = vector.broadcast %slice3A_283 : vector<1x32x1xf32> to vector<8x32x128xf32>
        %max3A_285 = vector.broadcast %reshape3A_165 : vector<8x1x128xf32> to vector<8x32x128xf32>
        %max3A_286 = arith.maximumf %max3A_284, %max3A_285 : vector<8x32x128xf32>
        %sub3A_287 = arith.subf %max3A_282, %max3A_274 : vector<8x32x128xf32>
        %add3A_288 = arith.constant 0.00999999977 : f32
        %add3A_289 = vector.broadcast %add3A_288 : f32 to vector<8x32x128xf32>
        %add3A_290 = arith.addf %sub3A_287, %add3A_289 : vector<8x32x128xf32>
        %max3A_291 = arith.constant 0.000000e+00 : f32
        %max3A_292 = vector.broadcast %max3A_291 : f32 to vector<8x32x128xf32>
        %max3A_293 = arith.maximumf %add3A_290, %max3A_292 : vector<8x32x128xf32>
        %sub3A_294 = arith.subf %max3A_286, %max3A_278 : vector<8x32x128xf32>
        %add3A_295 = arith.constant 0.00999999977 : f32
        %add3A_296 = vector.broadcast %add3A_295 : f32 to vector<8x32x128xf32>
        %add3A_297 = arith.addf %sub3A_294, %add3A_296 : vector<8x32x128xf32>
        %max3A_298 = arith.constant 0.000000e+00 : f32
        %max3A_299 = vector.broadcast %max3A_298 : f32 to vector<8x32x128xf32>
        %max3A_300 = arith.maximumf %add3A_297, %max3A_299 : vector<8x32x128xf32>
        %mul3A_301 = arith.mulf %max3A_293, %max3A_300 : vector<8x32x128xf32>
        %slice3A_302 = vector.extract_strided_slice %reshape3A_110 {offsets = [0, 64, 0], sizes = [1, 32, 1], strides = [1, 1, 1]} : vector<1x128x1xf32> to vector<1x32x1xf32>
        %add3A_303 = vector.broadcast %slice3A_302 : vector<1x32x1xf32> to vector<8x32x128xf32>
        %add3A_304 = vector.broadcast %reshape3A_169 : vector<8x1x128xf32> to vector<8x32x128xf32>
        %add3A_305 = arith.addf %add3A_303, %add3A_304 : vector<8x32x128xf32>
        %sub3A_306 = arith.subf %add3A_305, %mul3A_301 : vector<8x32x128xf32>
        %div3A_307 = arith.divf %mul3A_301, %sub3A_306 : vector<8x32x128xf32>
        %gt3A_308 = arith.constant 5.000000e-01 : f32
        %gt3A_309 = vector.broadcast %gt3A_308 : f32 to vector<8x32x128xf32>
        %gt3A_310 = arith.cmpf ogt, %div3A_307, %gt3A_309 : vector<8x32x128xf32>
        %reduce_or3A_311 = arith.constant 1.000000e+00 : f32
        %reduce_or3A_312 = arith.constant 0.000000e+00 : f32
        %reduce_or3A_313 = vector.broadcast %reduce_or3A_311 : f32 to vector<8x32x128xf32>
        %reduce_or3A_314 = vector.broadcast %reduce_or3A_312 : f32 to vector<8x32x128xf32>
        %reduce_or3A_315 = arith.select %gt3A_310, %reduce_or3A_313, %reduce_or3A_314 : vector<8x32x128xi1>, vector<8x32x128xf32>
        %reduce_or3A_316 = arith.constant dense<0xFF800000> : vector<8x128xf32>
        %reduce_or3A_317 = vector.multi_reduction <maximumf>, %reduce_or3A_315, %reduce_or3A_316 [1] : vector<8x32x128xf32> to vector<8x128xf32>
        %reduce_or3A_318 = arith.constant 0.000000e+00 : f32
        %reduce_or3A_319 = vector.broadcast %reduce_or3A_318 : f32 to vector<8x128xf32>
        %reduce_or3A_320 = arith.cmpf ogt, %reduce_or3A_317, %reduce_or3A_319 : vector<8x128xf32>
        %or3A_321 = arith.ori %or3A_270, %reduce_or3A_320 : vector<8x128xi1>
        %slice3A_322 = vector.extract_strided_slice %reshape3A {offsets = [0, 96, 0], sizes = [1, 32, 1], strides = [1, 1, 1]} : vector<1x128x1xf32> to vector<1x32x1xf32>
        %max3A_323 = vector.broadcast %slice3A_322 : vector<1x32x1xf32> to vector<8x32x128xf32>
        %max3A_324 = vector.broadcast %reshape3A_153 : vector<8x1x128xf32> to vector<8x32x128xf32>
        %max3A_325 = arith.maximumf %max3A_323, %max3A_324 : vector<8x32x128xf32>
        %slice3A_326 = vector.extract_strided_slice %reshape3A_98 {offsets = [0, 96, 0], sizes = [1, 32, 1], strides = [1, 1, 1]} : vector<1x128x1xf32> to vector<1x32x1xf32>
        %max3A_327 = vector.broadcast %slice3A_326 : vector<1x32x1xf32> to vector<8x32x128xf32>
        %max3A_328 = vector.broadcast %reshape3A_157 : vector<8x1x128xf32> to vector<8x32x128xf32>
        %max3A_329 = arith.maximumf %max3A_327, %max3A_328 : vector<8x32x128xf32>
        %slice3A_330 = vector.extract_strided_slice %reshape3A_102 {offsets = [0, 96, 0], sizes = [1, 32, 1], strides = [1, 1, 1]} : vector<1x128x1xf32> to vector<1x32x1xf32>
        %max3A_331 = vector.broadcast %slice3A_330 : vector<1x32x1xf32> to vector<8x32x128xf32>
        %max3A_332 = vector.broadcast %reshape3A_161 : vector<8x1x128xf32> to vector<8x32x128xf32>
        %max3A_333 = arith.maximumf %max3A_331, %max3A_332 : vector<8x32x128xf32>
        %slice3A_334 = vector.extract_strided_slice %reshape3A_106 {offsets = [0, 96, 0], sizes = [1, 32, 1], strides = [1, 1, 1]} : vector<1x128x1xf32> to vector<1x32x1xf32>
        %max3A_335 = vector.broadcast %slice3A_334 : vector<1x32x1xf32> to vector<8x32x128xf32>
        %max3A_336 = vector.broadcast %reshape3A_165 : vector<8x1x128xf32> to vector<8x32x128xf32>
        %max3A_337 = arith.maximumf %max3A_335, %max3A_336 : vector<8x32x128xf32>
        %sub3A_338 = arith.subf %max3A_333, %max3A_325 : vector<8x32x128xf32>
        %add3A_339 = arith.constant 0.00999999977 : f32
        %add3A_340 = vector.broadcast %add3A_339 : f32 to vector<8x32x128xf32>
        %add3A_341 = arith.addf %sub3A_338, %add3A_340 : vector<8x32x128xf32>
        %max3A_342 = arith.constant 0.000000e+00 : f32
        %max3A_343 = vector.broadcast %max3A_342 : f32 to vector<8x32x128xf32>
        %max3A_344 = arith.maximumf %add3A_341, %max3A_343 : vector<8x32x128xf32>
        %sub3A_345 = arith.subf %max3A_337, %max3A_329 : vector<8x32x128xf32>
        %add3A_346 = arith.constant 0.00999999977 : f32
        %add3A_347 = vector.broadcast %add3A_346 : f32 to vector<8x32x128xf32>
        %add3A_348 = arith.addf %sub3A_345, %add3A_347 : vector<8x32x128xf32>
        %max3A_349 = arith.constant 0.000000e+00 : f32
        %max3A_350 = vector.broadcast %max3A_349 : f32 to vector<8x32x128xf32>
        %max3A_351 = arith.maximumf %add3A_348, %max3A_350 : vector<8x32x128xf32>
        %mul3A_352 = arith.mulf %max3A_344, %max3A_351 : vector<8x32x128xf32>
        %slice3A_353 = vector.extract_strided_slice %reshape3A_110 {offsets = [0, 96, 0], sizes = [1, 32, 1], strides = [1, 1, 1]} : vector<1x128x1xf32> to vector<1x32x1xf32>
        %add3A_354 = vector.broadcast %slice3A_353 : vector<1x32x1xf32> to vector<8x32x128xf32>
        %add3A_355 = vector.broadcast %reshape3A_169 : vector<8x1x128xf32> to vector<8x32x128xf32>
        %add3A_356 = arith.addf %add3A_354, %add3A_355 : vector<8x32x128xf32>
        %sub3A_357 = arith.subf %add3A_356, %mul3A_352 : vector<8x32x128xf32>
        %div3A_358 = arith.divf %mul3A_352, %sub3A_357 : vector<8x32x128xf32>
        %gt3A_359 = arith.constant 5.000000e-01 : f32
        %gt3A_360 = vector.broadcast %gt3A_359 : f32 to vector<8x32x128xf32>
        %gt3A_361 = arith.cmpf ogt, %div3A_358, %gt3A_360 : vector<8x32x128xf32>
        %reduce_or3A_362 = arith.constant 1.000000e+00 : f32
        %reduce_or3A_363 = arith.constant 0.000000e+00 : f32
        %reduce_or3A_364 = vector.broadcast %reduce_or3A_362 : f32 to vector<8x32x128xf32>
        %reduce_or3A_365 = vector.broadcast %reduce_or3A_363 : f32 to vector<8x32x128xf32>
        %reduce_or3A_366 = arith.select %gt3A_361, %reduce_or3A_364, %reduce_or3A_365 : vector<8x32x128xi1>, vector<8x32x128xf32>
        %reduce_or3A_367 = arith.constant dense<0xFF800000> : vector<8x128xf32>
        %reduce_or3A_368 = vector.multi_reduction <maximumf>, %reduce_or3A_366, %reduce_or3A_367 [1] : vector<8x32x128xf32> to vector<8x128xf32>
        %reduce_or3A_369 = arith.constant 0.000000e+00 : f32
        %reduce_or3A_370 = vector.broadcast %reduce_or3A_369 : f32 to vector<8x128xf32>
        %reduce_or3A_371 = arith.cmpf ogt, %reduce_or3A_368, %reduce_or3A_370 : vector<8x128xf32>
        %or3A_372 = arith.ori %or3A_321, %reduce_or3A_371 : vector<8x128xi1>
        %add3A_373 = vector.broadcast %mul3A_149 : i32 to vector<8x1xi32>
        %add3A_374 = arith.addi %add3A_373, %iota3A_24 : vector<8x1xi32>
        %gt3A_375 = vector.broadcast %scan3A_29 : i32 to vector<8x1xi32>
        %gt3A_376 = arith.cmpi sgt, %add3A_374, %gt3A_375 : vector<8x1xi32>
        %get3A_377 = arith.index_cast %mul3A_149 : i32 to index
        %get3A_378 = arith.constant 0 : index
        %get3A_379 = vector.load %arg4[%get3A_377, %get3A_378] : memref<160x128xf32, #tpu.memory_space<vmem>>, vector<8x128xf32>
        %and3A_380 = vector.broadcast %gt3A_376 : vector<8x1xi1> to vector<8x128xi1>
        %and3A_381 = arith.andi %or3A_372, %and3A_380 : vector<8x128xi1>
        %jit3A_382 = arith.constant 0.000000e+00 : f32
        %broadcast_in_dim3A_383 = vector.broadcast %jit3A_382 : f32 to vector<8x128xf32>
        %select_n3A_384 = arith.select %and3A_381, %broadcast_in_dim3A_383, %get3A_379 : vector<8x128xi1>, vector<8x128xf32>
        %swap3A_385 = arith.index_cast %mul3A_149 : i32 to index
        %swap3A_386 = arith.constant 0 : index
        %swap3A_387 = vector.load %arg4[%swap3A_385, %swap3A_386] : memref<160x128xf32, #tpu.memory_space<vmem>>, vector<8x128xf32>
        tpu.vector_store %arg4[%swap3A_385, %swap3A_386], %select_n3A_384 {strides = array<i32>} : memref<160x128xf32, #tpu.memory_space<vmem>>, vector<8x128xf32>,
        %while3A_388 = arith.constant 0 : i32
        scf.yield %while3A_388 : i32
      }
      %while3A_144 = arith.constant 1 : i32
      %while3A_145 = scf.for %while3A_146 = %while3A_141 to %while3A_137 step %while3A_144 iter_args(%while3A_147 = %while3A_143) -> (i32)  : i32 {
        %mul3A_148 = arith.constant 8 : i32
        %mul3A_149 = arith.muli %while3A_146, %mul3A_148 : i32
        %get3A_150 = arith.index_cast %mul3A_149 : i32 to index
        %get3A_151 = arith.constant 0 : index
        %get3A_152 = vector.load %arg0[%get3A_150, %get3A_151] : memref<160x128xf32, #tpu.memory_space<vmem>>, vector<8x128xf32>
        %reshape3A_153 = vector.shape_cast %get3A_152 : vector<8x128xf32> to vector<8x1x128xf32>
        %get3A_154 = arith.index_cast %mul3A_149 : i32 to index
        %get3A_155 = arith.constant 0 : index
        %get3A_156 = vector.load %arg1[%get3A_154, %get3A_155] : memref<160x128xf32, #tpu.memory_space<vmem>>, vector<8x128xf32>
        %reshape3A_157 = vector.shape_cast %get3A_156 : vector<8x128xf32> to vector<8x1x128xf32>
        %get3A_158 = arith.index_cast %mul3A_149 : i32 to index
        %get3A_159 = arith.constant 0 : index
        %get3A_160 = vector.load %arg2[%get3A_158, %get3A_159] : memref<160x128xf32, #tpu.memory_space<vmem>>, vector<8x128xf32>
        %reshape3A_161 = vector.shape_cast %get3A_160 : vector<8x128xf32> to vector<8x1x128xf32>
        %get3A_162 = arith.index_cast %mul3A_149 : i32 to index
        %get3A_163 = arith.constant 0 : index
        %get3A_164 = vector.load %arg3[%get3A_162, %get3A_163] : memref<160x128xf32, #tpu.memory_space<vmem>>, vector<8x128xf32>
        %reshape3A_165 = vector.shape_cast %get3A_164 : vector<8x128xf32> to vector<8x1x128xf32>
        %get3A_166 = arith.index_cast %mul3A_149 : i32 to index
        %get3A_167 = arith.constant 0 : index
        %get3A_168 = vector.load %arg5[%get3A_166, %get3A_167] : memref<160x128xf32, #tpu.memory_space<vmem>>, vector<8x128xf32>
        %reshape3A_169 = vector.shape_cast %get3A_168 : vector<8x128xf32> to vector<8x1x128xf32>
        %broadcast_in_dim3A_170 = arith.constant false
        %broadcast_in_dim3A_171 = vector.broadcast %broadcast_in_dim3A_170 : i1 to vector<8x128xi1>
        %slice3A = vector.extract_strided_slice %reshape3A {offsets = [0, 0, 0], sizes = [1, 32, 1], strides = [1, 1, 1]} : vector<1x128x1xf32> to vector<1x32x1xf32>
        %max3A_172 = vector.broadcast %slice3A : vector<1x32x1xf32> to vector<8x32x128xf32>
        %max3A_173 = vector.broadcast %reshape3A_153 : vector<8x1x128xf32> to vector<8x32x128xf32>
        %max3A_174 = arith.maximumf %max3A_172, %max3A_173 : vector<8x32x128xf32>
        %slice3A_175 = vector.extract_strided_slice %reshape3A_98 {offsets = [0, 0, 0], sizes = [1, 32, 1], strides = [1, 1, 1]} : vector<1x128x1xf32> to vector<1x32x1xf32>
        %max3A_176 = vector.broadcast %slice3A_175 : vector<1x32x1xf32> to vector<8x32x128xf32>
        %max3A_177 = vector.broadcast %reshape3A_157 : vector<8x1x128xf32> to vector<8x32x128xf32>
        %max3A_178 = arith.maximumf %max3A_176, %max3A_177 : vector<8x32x128xf32>
        %slice3A_179 = vector.extract_strided_slice %reshape3A_102 {offsets = [0, 0, 0], sizes = [1, 32, 1], strides = [1, 1, 1]} : vector<1x128x1xf32> to vector<1x32x1xf32>
        %max3A_180 = vector.broadcast %slice3A_179 : vector<1x32x1xf32> to vector<8x32x128xf32>
        %max3A_181 = vector.broadcast %reshape3A_161 : vector<8x1x128xf32> to vector<8x32x128xf32>
        %max3A_182 = arith.maximumf %max3A_180, %max3A_181 : vector<8x32x128xf32>
        %slice3A_183 = vector.extract_strided_slice %reshape3A_106 {offsets = [0, 0, 0], sizes = [1, 32, 1], strides = [1, 1, 1]} : vector<1x128x1xf32> to vector<1x32x1xf32>
        %max3A_184 = vector.broadcast %slice3A_183 : vector<1x32x1xf32> to vector<8x32x128xf32>
        %max3A_185 = vector.broadcast %reshape3A_165 : vector<8x1x128xf32> to vector<8x32x128xf32>
        %max3A_186 = arith.maximumf %max3A_184, %max3A_185 : vector<8x32x128xf32>
        %sub3A_187 = arith.subf %max3A_182, %max3A_174 : vector<8x32x128xf32>
        %add3A_188 = arith.constant 0.00999999977 : f32
        %add3A_189 = vector.broadcast %add3A_188 : f32 to vector<8x32x128xf32>
        %add3A_190 = arith.addf %sub3A_187, %add3A_189 : vector<8x32x128xf32>
        %max3A_191 = arith.constant 0.000000e+00 : f32
        %max3A_192 = vector.broadcast %max3A_191 : f32 to vector<8x32x128xf32>
        %max3A_193 = arith.maximumf %add3A_190, %max3A_192 : vector<8x32x128xf32>
        %sub3A_194 = arith.subf %max3A_186, %max3A_178 : vector<8x32x128xf32>
        %add3A_195 = arith.constant 0.00999999977 : f32
        %add3A_196 = vector.broadcast %add3A_195 : f32 to vector<8x32x128xf32>
        %add3A_197 = arith.addf %sub3A_194, %add3A_196 : vector<8x32x128xf32>
        %max3A_198 = arith.constant 0.000000e+00 : f32
        %max3A_199 = vector.broadcast %max3A_198 : f32 to vector<8x32x128xf32>
        %max3A_200 = arith.maximumf %add3A_197, %max3A_199 : vector<8x32x128xf32>
        %mul3A_201 = arith.mulf %max3A_193, %max3A_200 : vector<8x32x128xf32>
        %slice3A_202 = vector.extract_strided_slice %reshape3A_110 {offsets = [0, 0, 0], sizes = [1, 32, 1], strides = [1, 1, 1]} : vector<1x128x1xf32> to vector<1x32x1xf32>
        %add3A_203 = vector.broadcast %slice3A_202 : vector<1x32x1xf32> to vector<8x32x128xf32>
        %add3A_204 = vector.broadcast %reshape3A_169 : vector<8x1x128xf32> to vector<8x32x128xf32>
        %add3A_205 = arith.addf %add3A_203, %add3A_204 : vector<8x32x128xf32>
        %sub3A_206 = arith.subf %add3A_205, %mul3A_201 : vector<8x32x128xf32>
        %div3A_207 = arith.divf %mul3A_201, %sub3A_206 : vector<8x32x128xf32>
        %gt3A_208 = arith.constant 5.000000e-01 : f32
        %gt3A_209 = vector.broadcast %gt3A_208 : f32 to vector<8x32x128xf32>
        %gt3A_210 = arith.cmpf ogt, %div3A_207, %gt3A_209 : vector<8x32x128xf32>
        %reduce_or3A = arith.constant 1.000000e+00 : f32
        %reduce_or3A_211 = arith.constant 0.000000e+00 : f32
        %reduce_or3A_212 = vector.broadcast %reduce_or3A : f32 to vector<8x32x128xf32>
        %reduce_or3A_213 = vector.broadcast %reduce_or3A_211 : f32 to vector<8x32x128xf32>
        %reduce_or3A_214 = arith.select %gt3A_210, %reduce_or3A_212, %reduce_or3A_213 : vector<8x32x128xi1>, vector<8x32x128xf32>
        %reduce_or3A_215 = arith.constant dense<0xFF800000> : vector<8x128xf32>
        %reduce_or3A_216 = vector.multi_reduction <maximumf>, %reduce_or3A_214, %reduce_or3A_215 [1] : vector<8x32x128xf32> to vector<8x128xf32>
        %reduce_or3A_217 = arith.constant 0.000000e+00 : f32
        %reduce_or3A_218 = vector.broadcast %reduce_or3A_217 : f32 to vector<8x128xf32>
        %reduce_or3A_219 = arith.cmpf ogt, %reduce_or3A_216, %reduce_or3A_218 : vector<8x128xf32>
        %or3A = arith.ori %broadcast_in_dim3A_171, %reduce_or3A_219 : vector<8x128xi1>
        %slice3A_220 = vector.extract_strided_slice %reshape3A {offsets = [0, 32, 0], sizes = [1, 32, 1], strides = [1, 1, 1]} : vector<1x128x1xf32> to vector<1x32x1xf32>
        %max3A_221 = vector.broadcast %slice3A_220 : vector<1x32x1xf32> to vector<8x32x128xf32>
        %max3A_222 = vector.broadcast %reshape3A_153 : vector<8x1x128xf32> to vector<8x32x128xf32>
        %max3A_223 = arith.maximumf %max3A_221, %max3A_222 : vector<8x32x128xf32>
        %slice3A_224 = vector.extract_strided_slice %reshape3A_98 {offsets = [0, 32, 0], sizes = [1, 32, 1], strides = [1, 1, 1]} : vector<1x128x1xf32> to vector<1x32x1xf32>
        %max3A_225 = vector.broadcast %slice3A_224 : vector<1x32x1xf32> to vector<8x32x128xf32>
        %max3A_226 = vector.broadcast %reshape3A_157 : vector<8x1x128xf32> to vector<8x32x128xf32>
        %max3A_227 = arith.maximumf %max3A_225, %max3A_226 : vector<8x32x128xf32>
        %slice3A_228 = vector.extract_strided_slice %reshape3A_102 {offsets = [0, 32, 0], sizes = [1, 32, 1], strides = [1, 1, 1]} : vector<1x128x1xf32> to vector<1x32x1xf32>
        %max3A_229 = vector.broadcast %slice3A_228 : vector<1x32x1xf32> to vector<8x32x128xf32>
        %max3A_230 = vector.broadcast %reshape3A_161 : vector<8x1x128xf32> to vector<8x32x128xf32>
        %max3A_231 = arith.maximumf %max3A_229, %max3A_230 : vector<8x32x128xf32>
        %slice3A_232 = vector.extract_strided_slice %reshape3A_106 {offsets = [0, 32, 0], sizes = [1, 32, 1], strides = [1, 1, 1]} : vector<1x128x1xf32> to vector<1x32x1xf32>
        %max3A_233 = vector.broadcast %slice3A_232 : vector<1x32x1xf32> to vector<8x32x128xf32>
        %max3A_234 = vector.broadcast %reshape3A_165 : vector<8x1x128xf32> to vector<8x32x128xf32>
        %max3A_235 = arith.maximumf %max3A_233, %max3A_234 : vector<8x32x128xf32>
        %sub3A_236 = arith.subf %max3A_231, %max3A_223 : vector<8x32x128xf32>
        %add3A_237 = arith.constant 0.00999999977 : f32
        %add3A_238 = vector.broadcast %add3A_237 : f32 to vector<8x32x128xf32>
        %add3A_239 = arith.addf %sub3A_236, %add3A_238 : vector<8x32x128xf32>
        %max3A_240 = arith.constant 0.000000e+00 : f32
        %max3A_241 = vector.broadcast %max3A_240 : f32 to vector<8x32x128xf32>
        %max3A_242 = arith.maximumf %add3A_239, %max3A_241 : vector<8x32x128xf32>
        %sub3A_243 = arith.subf %max3A_235, %max3A_227 : vector<8x32x128xf32>
        %add3A_244 = arith.constant 0.00999999977 : f32
        %add3A_245 = vector.broadcast %add3A_244 : f32 to vector<8x32x128xf32>
        %add3A_246 = arith.addf %sub3A_243, %add3A_245 : vector<8x32x128xf32>
        %max3A_247 = arith.constant 0.000000e+00 : f32
        %max3A_248 = vector.broadcast %max3A_247 : f32 to vector<8x32x128xf32>
        %max3A_249 = arith.maximumf %add3A_246, %max3A_248 : vector<8x32x128xf32>
        %mul3A_250 = arith.mulf %max3A_242, %max3A_249 : vector<8x32x128xf32>
        %slice3A_251 = vector.extract_strided_slice %reshape3A_110 {offsets = [0, 32, 0], sizes = [1, 32, 1], strides = [1, 1, 1]} : vector<1x128x1xf32> to vector<1x32x1xf32>
        %add3A_252 = vector.broadcast %slice3A_251 : vector<1x32x1xf32> to vector<8x32x128xf32>
        %add3A_253 = vector.broadcast %reshape3A_169 : vector<8x1x128xf32> to vector<8x32x128xf32>
        %add3A_254 = arith.addf %add3A_252, %add3A_253 : vector<8x32x128xf32>
        %sub3A_255 = arith.subf %add3A_254, %mul3A_250 : vector<8x32x128xf32>
        %div3A_256 = arith.divf %mul3A_250, %sub3A_255 : vector<8x32x128xf32>
        %gt3A_257 = arith.constant 5.000000e-01 : f32
        %gt3A_258 = vector.broadcast %gt3A_257 : f32 to vector<8x32x128xf32>
        %gt3A_259 = arith.cmpf ogt, %div3A_256, %gt3A_258 : vector<8x32x128xf32>
        %reduce_or3A_260 = arith.constant 1.000000e+00 : f32
        %reduce_or3A_261 = arith.constant 0.000000e+00 : f32
        %reduce_or3A_262 = vector.broadcast %reduce_or3A_260 : f32 to vector<8x32x128xf32>
        %reduce_or3A_263 = vector.broadcast %reduce_or3A_261 : f32 to vector<8x32x128xf32>
        %reduce_or3A_264 = arith.select %gt3A_259, %reduce_or3A_262, %reduce_or3A_263 : vector<8x32x128xi1>, vector<8x32x128xf32>
        %reduce_or3A_265 = arith.constant dense<0xFF800000> : vector<8x128xf32>
        %reduce_or3A_266 = vector.multi_reduction <maximumf>, %reduce_or3A_264, %reduce_or3A_265 [1] : vector<8x32x128xf32> to vector<8x128xf32>
        %reduce_or3A_267 = arith.constant 0.000000e+00 : f32
        %reduce_or3A_268 = vector.broadcast %reduce_or3A_267 : f32 to vector<8x128xf32>
        %reduce_or3A_269 = arith.cmpf ogt, %reduce_or3A_266, %reduce_or3A_268 : vector<8x128xf32>
        %or3A_270 = arith.ori %or3A, %reduce_or3A_269 : vector<8x128xi1>
        %slice3A_271 = vector.extract_strided_slice %reshape3A {offsets = [0, 64, 0], sizes = [1, 32, 1], strides = [1, 1, 1]} : vector<1x128x1xf32> to vector<1x32x1xf32>
        %max3A_272 = vector.broadcast %slice3A_271 : vector<1x32x1xf32> to vector<8x32x128xf32>
        %max3A_273 = vector.broadcast %reshape3A_153 : vector<8x1x128xf32> to vector<8x32x128xf32>
        %max3A_274 = arith.maximumf %max3A_272, %max3A_273 : vector<8x32x128xf32>
        %slice3A_275 = vector.extract_strided_slice %reshape3A_98 {offsets = [0, 64, 0], sizes = [1, 32, 1], strides = [1, 1, 1]} : vector<1x128x1xf32> to vector<1x32x1xf32>
        %max3A_276 = vector.broadcast %slice3A_275 : vector<1x32x1xf32> to vector<8x32x128xf32>
        %max3A_277 = vector.broadcast %reshape3A_157 : vector<8x1x128xf32> to vector<8x32x128xf32>
        %max3A_278 = arith.maximumf %max3A_276, %max3A_277 : vector<8x32x128xf32>
        %slice3A_279 = vector.extract_strided_slice %reshape3A_102 {offsets = [0, 64, 0], sizes = [1, 32, 1], strides = [1, 1, 1]} : vector<1x128x1xf32> to vector<1x32x1xf32>
        %max3A_280 = vector.broadcast %slice3A_279 : vector<1x32x1xf32> to vector<8x32x128xf32>
        %max3A_281 = vector.broadcast %reshape3A_161 : vector<8x1x128xf32> to vector<8x32x128xf32>
        %max3A_282 = arith.maximumf %max3A_280, %max3A_281 : vector<8x32x128xf32>
        %slice3A_283 = vector.extract_strided_slice %reshape3A_106 {offsets = [0, 64, 0], sizes = [1, 32, 1], strides = [1, 1, 1]} : vector<1x128x1xf32> to vector<1x32x1xf32>
        %max3A_284 = vector.broadcast %slice3A_283 : vector<1x32x1xf32> to vector<8x32x128xf32>
        %max3A_285 = vector.broadcast %reshape3A_165 : vector<8x1x128xf32> to vector<8x32x128xf32>
        %max3A_286 = arith.maximumf %max3A_284, %max3A_285 : vector<8x32x128xf32>
        %sub3A_287 = arith.subf %max3A_282, %max3A_274 : vector<8x32x128xf32>
        %add3A_288 = arith.constant 0.00999999977 : f32
        %add3A_289 = vector.broadcast %add3A_288 : f32 to vector<8x32x128xf32>
        %add3A_290 = arith.addf %sub3A_287, %add3A_289 : vector<8x32x128xf32>
        %max3A_291 = arith.constant 0.000000e+00 : f32
        %max3A_292 = vector.broadcast %max3A_291 : f32 to vector<8x32x128xf32>
        %max3A_293 = arith.maximumf %add3A_290, %max3A_292 : vector<8x32x128xf32>
        %sub3A_294 = arith.subf %max3A_286, %max3A_278 : vector<8x32x128xf32>
        %add3A_295 = arith.constant 0.00999999977 : f32
        %add3A_296 = vector.broadcast %add3A_295 : f32 to vector<8x32x128xf32>
        %add3A_297 = arith.addf %sub3A_294, %add3A_296 : vector<8x32x128xf32>
        %max3A_298 = arith.constant 0.000000e+00 : f32
        %max3A_299 = vector.broadcast %max3A_298 : f32 to vector<8x32x128xf32>
        %max3A_300 = arith.maximumf %add3A_297, %max3A_299 : vector<8x32x128xf32>
        %mul3A_301 = arith.mulf %max3A_293, %max3A_300 : vector<8x32x128xf32>
        %slice3A_302 = vector.extract_strided_slice %reshape3A_110 {offsets = [0, 64, 0], sizes = [1, 32, 1], strides = [1, 1, 1]} : vector<1x128x1xf32> to vector<1x32x1xf32>
        %add3A_303 = vector.broadcast %slice3A_302 : vector<1x32x1xf32> to vector<8x32x128xf32>
        %add3A_304 = vector.broadcast %reshape3A_169 : vector<8x1x128xf32> to vector<8x32x128xf32>
        %add3A_305 = arith.addf %add3A_303, %add3A_304 : vector<8x32x128xf32>
        %sub3A_306 = arith.subf %add3A_305, %mul3A_301 : vector<8x32x128xf32>
        %div3A_307 = arith.divf %mul3A_301, %sub3A_306 : vector<8x32x128xf32>
        %gt3A_308 = arith.constant 5.000000e-01 : f32
        %gt3A_309 = vector.broadcast %gt3A_308 : f32 to vector<8x32x128xf32>
        %gt3A_310 = arith.cmpf ogt, %div3A_307, %gt3A_309 : vector<8x32x128xf32>
        %reduce_or3A_311 = arith.constant 1.000000e+00 : f32
        %reduce_or3A_312 = arith.constant 0.000000e+00 : f32
        %reduce_or3A_313 = vector.broadcast %reduce_or3A_311 : f32 to vector<8x32x128xf32>
        %reduce_or3A_314 = vector.broadcast %reduce_or3A_312 : f32 to vector<8x32x128xf32>
        %reduce_or3A_315 = arith.select %gt3A_310, %reduce_or3A_313, %reduce_or3A_314 : vector<8x32x128xi1>, vector<8x32x128xf32>
        %reduce_or3A_316 = arith.constant dense<0xFF800000> : vector<8x128xf32>
        %reduce_or3A_317 = vector.multi_reduction <maximumf>, %reduce_or3A_315, %reduce_or3A_316 [1] : vector<8x32x128xf32> to vector<8x128xf32>
        %reduce_or3A_318 = arith.constant 0.000000e+00 : f32
        %reduce_or3A_319 = vector.broadcast %reduce_or3A_318 : f32 to vector<8x128xf32>
        %reduce_or3A_320 = arith.cmpf ogt, %reduce_or3A_317, %reduce_or3A_319 : vector<8x128xf32>
        %or3A_321 = arith.ori %or3A_270, %reduce_or3A_320 : vector<8x128xi1>
        %slice3A_322 = vector.extract_strided_slice %reshape3A {offsets = [0, 96, 0], sizes = [1, 32, 1], strides = [1, 1, 1]} : vector<1x128x1xf32> to vector<1x32x1xf32>
        %max3A_323 = vector.broadcast %slice3A_322 : vector<1x32x1xf32> to vector<8x32x128xf32>
        %max3A_324 = vector.broadcast %reshape3A_153 : vector<8x1x128xf32> to vector<8x32x128xf32>
        %max3A_325 = arith.maximumf %max3A_323, %max3A_324 : vector<8x32x128xf32>
        %slice3A_326 = vector.extract_strided_slice %reshape3A_98 {offsets = [0, 96, 0], sizes = [1, 32, 1], strides = [1, 1, 1]} : vector<1x128x1xf32> to vector<1x32x1xf32>
        %max3A_327 = vector.broadcast %slice3A_326 : vector<1x32x1xf32> to vector<8x32x128xf32>
        %max3A_328 = vector.broadcast %reshape3A_157 : vector<8x1x128xf32> to vector<8x32x128xf32>
        %max3A_329 = arith.maximumf %max3A_327, %max3A_328 : vector<8x32x128xf32>
        %slice3A_330 = vector.extract_strided_slice %reshape3A_102 {offsets = [0, 96, 0], sizes = [1, 32, 1], strides = [1, 1, 1]} : vector<1x128x1xf32> to vector<1x32x1xf32>
        %max3A_331 = vector.broadcast %slice3A_330 : vector<1x32x1xf32> to vector<8x32x128xf32>
        %max3A_332 = vector.broadcast %reshape3A_161 : vector<8x1x128xf32> to vector<8x32x128xf32>
        %max3A_333 = arith.maximumf %max3A_331, %max3A_332 : vector<8x32x128xf32>
        %slice3A_334 = vector.extract_strided_slice %reshape3A_106 {offsets = [0, 96, 0], sizes = [1, 32, 1], strides = [1, 1, 1]} : vector<1x128x1xf32> to vector<1x32x1xf32>
        %max3A_335 = vector.broadcast %slice3A_334 : vector<1x32x1xf32> to vector<8x32x128xf32>
        %max3A_336 = vector.broadcast %reshape3A_165 : vector<8x1x128xf32> to vector<8x32x128xf32>
        %max3A_337 = arith.maximumf %max3A_335, %max3A_336 : vector<8x32x128xf32>
        %sub3A_338 = arith.subf %max3A_333, %max3A_325 : vector<8x32x128xf32>
        %add3A_339 = arith.constant 0.00999999977 : f32
        %add3A_340 = vector.broadcast %add3A_339 : f32 to vector<8x32x128xf32>
        %add3A_341 = arith.addf %sub3A_338, %add3A_340 : vector<8x32x128xf32>
        %max3A_342 = arith.constant 0.000000e+00 : f32
        %max3A_343 = vector.broadcast %max3A_342 : f32 to vector<8x32x128xf32>
        %max3A_344 = arith.maximumf %add3A_341, %max3A_343 : vector<8x32x128xf32>
        %sub3A_345 = arith.subf %max3A_337, %max3A_329 : vector<8x32x128xf32>
        %add3A_346 = arith.constant 0.00999999977 : f32
        %add3A_347 = vector.broadcast %add3A_346 : f32 to vector<8x32x128xf32>
        %add3A_348 = arith.addf %sub3A_345, %add3A_347 : vector<8x32x128xf32>
        %max3A_349 = arith.constant 0.000000e+00 : f32
        %max3A_350 = vector.broadcast %max3A_349 : f32 to vector<8x32x128xf32>
        %max3A_351 = arith.maximumf %add3A_348, %max3A_350 : vector<8x32x128xf32>
        %mul3A_352 = arith.mulf %max3A_344, %max3A_351 : vector<8x32x128xf32>
        %slice3A_353 = vector.extract_strided_slice %reshape3A_110 {offsets = [0, 96, 0], sizes = [1, 32, 1], strides = [1, 1, 1]} : vector<1x128x1xf32> to vector<1x32x1xf32>
        %add3A_354 = vector.broadcast %slice3A_353 : vector<1x32x1xf32> to vector<8x32x128xf32>
        %add3A_355 = vector.broadcast %reshape3A_169 : vector<8x1x128xf32> to vector<8x32x128xf32>
        %add3A_356 = arith.addf %add3A_354, %add3A_355 : vector<8x32x128xf32>
        %sub3A_357 = arith.subf %add3A_356, %mul3A_352 : vector<8x32x128xf32>
        %div3A_358 = arith.divf %mul3A_352, %sub3A_357 : vector<8x32x128xf32>
        %gt3A_359 = arith.constant 5.000000e-01 : f32
        %gt3A_360 = vector.broadcast %gt3A_359 : f32 to vector<8x32x128xf32>
        %gt3A_361 = arith.cmpf ogt, %div3A_358, %gt3A_360 : vector<8x32x128xf32>
        %reduce_or3A_362 = arith.constant 1.000000e+00 : f32
        %reduce_or3A_363 = arith.constant 0.000000e+00 : f32
        %reduce_or3A_364 = vector.broadcast %reduce_or3A_362 : f32 to vector<8x32x128xf32>
        %reduce_or3A_365 = vector.broadcast %reduce_or3A_363 : f32 to vector<8x32x128xf32>
        %reduce_or3A_366 = arith.select %gt3A_361, %reduce_or3A_364, %reduce_or3A_365 : vector<8x32x128xi1>, vector<8x32x128xf32>
        %reduce_or3A_367 = arith.constant dense<0xFF800000> : vector<8x128xf32>
        %reduce_or3A_368 = vector.multi_reduction <maximumf>, %reduce_or3A_366, %reduce_or3A_367 [1] : vector<8x32x128xf32> to vector<8x128xf32>
        %reduce_or3A_369 = arith.constant 0.000000e+00 : f32
        %reduce_or3A_370 = vector.broadcast %reduce_or3A_369 : f32 to vector<8x128xf32>
        %reduce_or3A_371 = arith.cmpf ogt, %reduce_or3A_368, %reduce_or3A_370 : vector<8x128xf32>
        %or3A_372 = arith.ori %or3A_321, %reduce_or3A_371 : vector<8x128xi1>
        %add3A_373 = vector.broadcast %mul3A_149 : i32 to vector<8x1xi32>
        %add3A_374 = arith.addi %add3A_373, %iota3A_24 : vector<8x1xi32>
        %gt3A_375 = vector.broadcast %scan3A_29 : i32 to vector<8x1xi32>
        %gt3A_376 = arith.cmpi sgt, %add3A_374, %gt3A_375 : vector<8x1xi32>
        %get3A_377 = arith.index_cast %mul3A_149 : i32 to index
        %get3A_378 = arith.constant 0 : index
        %get3A_379 = vector.load %arg4[%get3A_377, %get3A_378] : memref<160x128xf32, #tpu.memory_space<vmem>>, vector<8x128xf32>
        %and3A_380 = vector.broadcast %gt3A_376 : vector<8x1xi1> to vector<8x128xi1>
        %and3A_381 = arith.andi %or3A_372, %and3A_380 : vector<8x128xi1>
        %jit3A_382 = arith.constant 0.000000e+00 : f32
        %broadcast_in_dim3A_383 = vector.broadcast %jit3A_382 : f32 to vector<8x128xf32>
        %select_n3A_384 = arith.select %and3A_381, %broadcast_in_dim3A_383, %get3A_379 : vector<8x128xi1>, vector<8x128xf32>
        %swap3A_385 = arith.index_cast %mul3A_149 : i32 to index
        %swap3A_386 = arith.constant 0 : index
        %swap3A_387 = vector.load %arg4[%swap3A_385, %swap3A_386] : memref<160x128xf32, #tpu.memory_space<vmem>>, vector<8x128xf32>
        tpu.vector_store %arg4[%swap3A_385, %swap3A_386], %select_n3A_384 {strides = array<i32>} : memref<160x128xf32, #tpu.memory_space<vmem>>, vector<8x128xf32>,
        %while3A_388 = arith.constant 0 : i32
        scf.yield %while3A_388 : i32
      }
    }
    %scan3A_28 = arith.constant 160 : i32
    return
  }
}

</mosaic_0001>

<sc_bundles>
// kernel: gather_offload_async_start
scs
__scs_entry_jumppad:
0x0: {  	(pc) =	sbr.rel $0x88, $3  }
0x1: {  	(tag) =	ssettag $0x0;
	lr =	simm.s32 $0x1  }
0x2: {  	[smem:$0x3F9F] =	sst lr;
	_ =	strace $0xD0000000  }
0x3: {  	_ = 	snop  }
0x4: {  	_ = 	snop  }
0x5: {  	_ = 	snop  }
0x6: {  	_ = 	snop  }
0x7: {  	_ = 	snop  }
__scs_overlays_trampoline_lowered:
0x8: {  	[smem:$0x3FAE] =	sst s0  }
0x9: {  	[smem:$0x3FAF] =	sst s1  }
0xa: {  	[smem:$0x3FB0] =	sst s2  }
0xb: {  	[smem:$0x3FB1] =	sst s3  }
0xc: {  	[smem:$0x3FB2] =	sst s4  }
0xd: {  	[smem:$0x3FB3] =	sst s5  }
0xe: {  	[smem:$0x3FB4] =	sst s6  }
0xf: {  	[smem:$0x3FB5] =	sst s7  }
0x10: {  	[smem:$0x3FB6] =	sst s8  }
0x11: {  	[smem:$0x3FB7] =	sst s9;
	s0 =	simm.s32 @!p0 $0x0  }
0x12: {  	s1 =	sld [smem:$0x3F9D];
	s0 =	simm.s32 @p0 $0x1  }
0x13: {  	[smem:$0x3FB8] =	sst s0;
	s0 =	simm.s32 @!p1 $0x0  }
0x14: {  	s2 =	sld [smem:$0x3F9C];
	s0 =	simm.s32 @p1 $0x1  }
0x15: {  	[smem:$0x3FB9] =	sst s0;
	s0 =	simm.s32 @!p2 $0x0  }
0x16: {  	s3 =	sld [smem:$0x3FDB];
	s0 =	simm.s32 @p2 $0x1  }
0x17: {  	s4 =	simm.s32 $0x1BF5;
	[smem:$0x3FBB] =	sst s0  }
0x18: {  	s0 =	sld [smem:$0x3F9E];
	_ =	swait.ge [sflag:s4], $0x0  }
0x19: {  	s7 =	sld [smem:$0x3F9F]  }
0x1a: {  	s8 =	sadd.s32 $0xFFFFE003, lr  }
0x1b: {  	s9 =	sadd.s32 $0xFFFFFEF7, lr;
	s5 =	simm.s32 $0xFFFFFFFF;
	p2 =	slt.u32 s8, $0xFFFFF086  }
0x1c: {  	p1 =	slt.u32 s9, $0xF7A;
	s5 =	simm.s32 @!p2 $0x0  }
0x1d: {  	s5 =	simm.s32 @p1 $0x1;
	p0 =	seq.s32 s7, s2  }
0x1e: {  	s7 =	smul.u32 @!p0 $0xF7A, s2;
	p2 =	seq.s32 @!p0 s5, $0x0  }
0x1f: {  	s9 =	smul.u32 $0xF7A, s1;
	s8 =	simm.s32 @!p0 $0x1BF5;
	p2 =	por !p2, p0  }
0x20: {  	[sflag:s8] =	ssyncset.s32 @!p0 $0xFFFFF086;
	s6 =	sadd.s32 @!p0 s3, s7;
	s7 =	simm.s32 @!p0 $0x108  }
0x21: {  	s3 =	sadd.s32 s3, s9;
	s6 =	sadd.s32 @!p0 $0x88, s6;
	s7 =	simm.s32 @p2 $0x1082  }
0x22: {  	[simem:s7], [sflag:s8] =	dma.local @!p0 [hbm:s6], $0xF7A  }
0x23: {  	s9 =	sor.u32 $0xD0000000, s2;
	s6 =	simm.s32 $0x108;
	_ =	swait.ge @!p0 [sflag:s8], $0x0  }
0x24: {  	s3 =	sadd.s32 $0x88, s3;
	s6 =	simm.s32 @!p1 $0x1082;
	[sflag:s4] =	ssyncset.s32 $0xFFFFF086  }
0x25: {  	[simem:s6], [sflag:s4] =	dma.local [hbm:s3], $0xF7A  }
0x26: {  	[smem:$0x3F9F] =	sst s1;
	(tag) =	ssettag s2;
	_ =	strace s9  }
0x27: {  	s1 =	sld [smem:$0x3FAF]  }
0x28: {  	s2 =	sld [smem:$0x3FB0]  }
0x29: {  	s4 =	sld [smem:$0x3FB2]  }
0x2a: {  	p0 =	seq.s32 s5, $0x0;
	s5 =	sld [smem:$0x3FB3]  }
0x2b: {  	s6 =	sld [smem:$0x3FB4]  }
0x2c: {  	s7 =	sld [smem:$0x3FB5]  }
0x2d: {  	s3 =	simm.s32 $0x108;
	s8 =	sld [smem:$0x3FB6]  }
0x2e: {  	s3 =	simm.s32 @!p0 $0x1082;
	s9 =	sld [smem:$0x3FB7]  }
0x2f: {  	lr =	sadd.s32 s0, s3;
	s0 =	sld [smem:$0x3FAE]  }
0x30: {  	s3 =	sld [smem:$0x3FB1]  }
0x31: {  	[smem:$0x3FBA] =	sst s10  }
0x32: {  	s10 =	sld [smem:$0x3FB8];
	_ =	sdelay $0x3  }
0x33: {  	p0 =	seq.s32 s10, $0x1;
	s10 =	sld [smem:$0x3FBA];
	_ =	sdelay $0x3  }
0x34: {  	[smem:$0x3FBA] =	sst s10  }
0x35: {  	s10 =	sld [smem:$0x3FB9];
	_ =	sdelay $0x3  }
0x36: {  	p1 =	seq.s32 s10, $0x1;
	s10 =	sld [smem:$0x3FBA];
	_ =	sdelay $0x3  }
0x37: {  	[smem:$0x3FBA] =	sst s10  }
0x38: {  	s10 =	sld [smem:$0x3FBB]  }
0x39: {  	_ = 	snop;
	(pc) =	sbr.ind lr, $3  }
0x3a: {  	_ = 	snop  }
0x3b: {  	_ = 	snop  }
0x3c: {  	p2 =	seq.s32 s10, $0x1;
	s10 =	sld [smem:$0x3FBA]  }
0x3d: {  	_ =	shalt  }
0x3e: {  	_ =	shalt  }
0x3f: {  	_ =	shalt  }
0x40: {  	_ =	shalt  }
0x41: {  	_ =	shalt  }
0x42: {  	_ =	shalt  }
0x43: {  	_ =	shalt  }
0x44: {  	_ =	shalt  }
0x45: {  	_ =	shalt  }
0x46: {  	_ =	shalt  }
0x47: {  	_ =	shalt  }
0x48: {  	_ =	shalt  }
0x49: {  	_ =	shalt  }
0x4a: {  	_ =	shalt  }
0x4b: {  	_ =	shalt  }
0x4c: {  	_ =	shalt  }
0x4d: {  	_ =	shalt  }
0x4e: {  	_ =	shalt  }
0x4f: {  	_ =	shalt  }
0x50: {  	_ =	shalt  }
0x51: {  	_ =	shalt  }
0x52: {  	_ =	shalt  }
0x53: {  	_ =	shalt  }
0x54: {  	_ =	shalt  }
0x55: {  	_ =	shalt  }
0x56: {  	_ =	shalt  }
0x57: {  	_ =	shalt  }
0x58: {  	_ =	shalt  }
0x59: {  	_ =	shalt  }
0x5a: {  	_ =	shalt  }
0x5b: {  	_ =	shalt  }
0x5c: {  	_ =	shalt  }
0x5d: {  	_ =	shalt  }
0x5e: {  	_ =	shalt  }
0x5f: {  	_ =	shalt  }
0x60: {  	_ =	shalt  }
0x61: {  	_ =	shalt  }
0x62: {  	_ =	shalt  }
0x63: {  	_ =	shalt  }
0x64: {  	_ =	shalt  }
0x65: {  	_ =	shalt  }
0x66: {  	_ =	shalt  }
0x67: {  	_ =	shalt  }
0x68: {  	_ =	shalt  }
0x69: {  	_ =	shalt  }
0x6a: {  	_ =	shalt  }
0x6b: {  	_ =	shalt  }
0x6c: {  	_ =	shalt  }
0x6d: {  	_ =	shalt  }
0x6e: {  	_ =	shalt  }
0x6f: {  	_ =	shalt  }
0x70: {  	_ =	shalt  }
0x71: {  	_ =	shalt  }
0x72: {  	_ =	shalt  }
0x73: {  	_ =	shalt  }
0x74: {  	_ =	shalt  }
0x75: {  	_ =	shalt  }
0x76: {  	_ =	shalt  }
0x77: {  	_ =	shalt  }
0x78: {  	_ =	shalt  }
0x79: {  	_ =	shalt  }
0x7a: {  	_ =	shalt  }
0x7b: {  	_ =	shalt  }
0x7c: {  	_ =	shalt  }
0x7d: {  	_ =	shalt  }
0x7e: {  	_ =	shalt  }
0x7f: {  	_ =	shalt  }
0x80: {  	_ =	shalt  }
0x81: {  	_ =	shalt  }
0x82: {  	_ =	shalt  }
0x83: {  	_ =	shalt  }
0x84: {  	_ =	shalt  }
0x85: {  	_ =	shalt  }
0x86: {  	_ =	shalt  }
0x87: {  	_ =	shalt  }
.Lfunc_end0:
.L_simem_size_0:
called_computation_lowered:
.L_overlay_start_0:
0x88: {  	s2 =	sld [smem:$0x3FD9]  }
0x89: {  	s3 =	sld [smem:$0x3FFE];
	_ =	sdelay $0x1  }
0x8a: {  	s1 =	srdreg.scid  }
0x8b: {  	s0 =	sand.u32 $0x1, s1  }
0x8c: {  	s14 =	sshll.u32 s0, $0xA;
	s2 =	sadd.s32 s3, s2  }
0x8d: {  	s2 =	sadd.s32 s2, s14  }
0x8e: {  	[smem:$0x3FC6] =	sst s2  }
0x8f: {  	_ = 	snop  }
0x90: {  	s2 =	sld [smem:$0x3FD0];
	_ =	sdelay $0x2  }
0x91: {  	s15 =	simm.s32 $0xA;
	s4 =	simm.s32 $0x10  }
0x92: {  	[smem:s4], [sflag:s15] =	dma.local [hbm:s2], $0x1  }
0x93: {  	_ =	swait.eq [sflag:s15], $0x1  }
0x94: {  	[sflag:s15] =	ssyncset.done $0x0  }
0x95: {  	[sflag:s15] =	ssyncadd.s32 $0xFFFFFFFF  }
0x96: {  	s16 =	sld [smem:$0x10];
	(tm) =	ssettm $0x1  }
0x97: {  	s17 =	sld [smem:$0x3FFB];
	_ =	sdelay $0x3  }
0x98: {  	_ =	strace s17  }
0x99: {  	s3 =	sld [smem:$0x3FFC];
	_ =	sdelay $0x3  }
0x9a: {  	_ =	strace s3  }
0x9b: {  	s3 =	sld [smem:$0x3FFD];
	_ =	sdelay $0x3  }
0x9c: {  	_ =	strace s3  }
0x9d: {  	_ =	strace $0x8FFFFFFF  }
0x9e: {  	s18 =	sld [smem:$0x3FDB];
	_ =	sdelay $0x1  }
0x9f: {  	s19 =	simm.s32 $_scs_section_size  }
0xa0: {  	s5 =	simm.s32 $_size__tile_overlayer_lowered;
	s6 =	simm.s32 $_tile_overlayer_lowered  }
0xa1: {  	s22 =	simm.s32 $0x1BFF;
	s21 =	sshll.u32 s6, $0x1;
	s3 =	sadd.s32 s19, s18  }
0xa2: {  	s7 =	simm.s32 $0x0;
	s20 =	sshll.u32 s5, $0x1;
	s5 =	sadd.s32 s21, s3  }
0xa3: {  	[timem:s7], [sflag:s22] =	dma.local [hbm:s5], s20  }
0xa4: {  	_ =	swait.ge [sflag:s22], s20  }
0xa5: {  	s4 =	ssub.s32 $0x0, s20;
	[sflag:s22] =	ssyncset.done $0x0  }
0xa6: {  	[sflag:s22] =	ssyncadd.s32 s4;
	_ =	sdelay $0x1  }
0xa7: {  	s23 =	simm.s32 $0x1B8B  }
0xa8: {  	_ =	swait.ge [sflag:s23], $0x1  }
0xa9: {  	[sflag:s23] =	ssyncset.done $0x0  }
0xaa: {  	s25 =	simm.s32 $0x1B8E;
	s24 =	sld [smem:$0x3FFE];
	[sflag:s23] =	ssyncadd.s32 $0xFFFFFFFF  }
0xab: {  	s26 =	simm.s32 $execute0_lowered;
	[smem:$0x3FD2] =	sst s25  }
0xac: {  	s5 =	sshll.u32 s26, $0x1;
	_ =	strace $0x80000046;
	[dreg:$0x1] =	wrdreg $0xFFFFFFFF  }
0xad: {  	s28 =	simm.s32 $_size_execute0_lowered;
	s3 =	sadd.s32 s3, s5;
	[dreg:$0x0] =	wrdreg $0x0  }
0xae: {  	s5 =	sshll.u32 s28, $0x1;
	[dreg:$0x2] =	wrdreg s3  }
0xaf: {  	[dreg:$0x3] =	wrdreg s5  }
0xb0: {  	[dreg:$0x4] =	wrdreg $0xC0  }
0xb1: {  	_ =	task [dreg:s7], $0x5FFFF  }
0xb2: {  	[dreg:$0x1] =	wrdreg $0xFFFFFFFF  }
0xb3: {  	[dreg:$0x0] =	wrdreg $0x60  }
0xb4: {  	[dreg:$0x2] =	wrdreg s24  }
0xb5: {  	[dreg:$0x3] =	wrdreg s16  }
0xb6: {  	[dreg:$0x4] =	wrdreg $0x9  }
0xb7: {  	_ =	task.clear_ibuf [dreg:s7], $0x5FFFF;
	_ =	strace $0x90000046  }
0xb8: {  	s29 =	simm.s32 $0x9;
	_ =	strace $0x80000048  }
0xb9: {  	_ =	swait.ge [sflag:s29], $0x1  }
0xba: {  	[sflag:s29] =	ssyncadd.s32 $0xFFFFFFFF  }
0xbb: {  	_ =	strace $0x90000048  }
0xbc: {  	_ =	sfence  }
0xbd: {  	s30 =	sld [smem:$0x0];
	_ =	sdelay $0x2  }
0xbe: {  	s31 =	sshll.u32 s1, $0xD;
	s1 =	sshrl.u32 s1, $0x2  }
0xbf: {  	s3 =	sand.u32 $0x4000, s31;
	s1 =	sadd.s32 s1, s30  }
0xc0: {  	s0 =	sor.u32 s3, s0;
	s1 =	sshll.u32 s1, $0x11  }
0xc1: {  	s0 =	sor.u32 s1, s0  }
0xc2: {  	s0 =	sadd.s32 $0x8F2B, s0  }
0xc3: {  	[sflag:s0] =	ssyncadd.remote.s32 $0x1  }
0xc4: {  	_ =	sfence.sel $0xFFFF  }
0xc5: {  	[dreg:$0x0] =	wrdreg $0xFFFFFFFF;
	(pc) =	sbr.abs _section_cstart, $3  }
0xc6: {  	[dreg:$0x1] =	wrdreg $0xFFFFFFFF  }
0xc7: {  	_ =	task.clear_ibuf [dreg:s7], $0x2FFFF;
	_ =	strace $0x9FFFFFFF  }
0xc8: {  	(tm) =	ssettm $0x7FFFFFFF  }
0xc9: {  	_ =	shalt  }
tec
execute0_lowered:
.L_overlay_start_1:
0x0: {  	(tag) =	ssettag $0x1  }
0x1: {  	s0 =	srdreg.scid  }
0x2: {  	s1 =	sshll.u32 s0, $0x4  }
0x3: {  	s0 =	stileid.u32;
	s1 =	sand.u32 $0x10, s1  }
0x4: {  	s2 =	sor.u32 s0, s1  }
0x5: {  	s1 =	smin.u32 s2, $0x12  }
0x6: {  	s1 =	sadd.s32 s2, s1  }
0x7: {  	p0 =	slt.u32 s2, $0x12;
	s2 =	simm.s32 $0x320;
	s1 =	smul.u32 $0x190, s1  }
0x8: {  	s2 =	simm.s32 @!p0 $0x190  }
0x9: {  	s2 =	sadd.s32 s2, s1  }
0xa: {  	s3 =	smin.u32 s2, $0x4E20  }
0xb: {  	s7 =	ssub.s32 s3, s1  }
0xc: {  	p0 =	sgt.s32 s7, $0x0  }
0xd: {  	s7 =	simm.s32 @!p0 $0x0  }
0xe: {  	s31 =	sand.u32 $0xFFF0, s7  }
0xf: {  	s2 =	sshrl.u32 s31, $0x4  }
0x10: {  	s4 =	rddreg [dreg:$0x0];
	s2 =	smul.u32 $0xA3E, s2  }
0x11: {  	s5 =	rddreg [dreg:$0x1]  }
0x12: {  	s6 =	simm.s32 $0x1;
	s10 =	simm.s32 $0x3;
	s8 =	sshrl.u32 s2, $0x10  }
0x13: {  	s13 =	simm.s32 $0x0;
	s12 =	simm.s32 $0x0;
	s9 =	smul.u32 $0x190, s8  }
.Ltmp0:
0x14: {  	s11 =	smov.u32 s1;
	s2 =	rddreg [dreg:$0x2];
	(pc) =	sbr.rel .LBB2_1-.Ltmp0, $4  }
0x15: {  	_ =	strace $0x80000047;
	p0 =	sne.s32 s7, s9;
	s9 =	simm.s32 $0x1  }
0x16: {  	[sflag:s6] =	ssyncpa.u1 $0x0;
	s7 =	simm.s32 $0x2;
	s9 =	simm.s32 @!p0 $0x0  }
0x17: {  	[sflag:s7] =	ssyncpa.u1 $0x0;
	p0 =	por $0x0, $0x0;
	s8 =	sadd.s32 s8, s9  }
0x18: {  	vm0 =	vmmov $0xff;
	vm1 =	vcmask $0x3F20;
	s9 =	sadd.s32 $0x4E200, s4;
	[sflag:s10] =	ssyncpa.u1 $0x0;
	s10 =	sadd.s32 $0x1, s8  }
.LBB2_6:
0x19: {  	[hbm:s17] =	stream.linear.scatter [tilespmem:s14], [sflag:$0x3], $0x400, $0x38;
	[tilespmem:$0x19320] =	vst v63  }
.LBB2_7:
0x1a: {  	s13 =	sadd.s32 $0x190, s11  }
0x1b: {  	s15 =	smov.u32 s1;
	p2 =	slt.s32 s13, s3  }
0x1c: {  	s15 =	smov.u32 @p2 s13;
	p2 =	sne.s32 s12, s10  }
.Ltmp1:
0x1d: {  	p1 =	slt.u32 s12, $0x2;
	(pc) =	sbr.rel @!p2 .LBB2_8-.Ltmp1, $4  }
0x1e: {  	s14 =	simm.s32 @!p1 $0x3  }
0x1f: {  	s16 =	sadd.s32 $0x1, s12;
	_ =	swait.ge @!p1 [sflag:s14], $0xC800  }
0x20: {  	p0 =	por !p0, !p0;
	s13 =	smov.u32 s11;
	[sflag:s14] =	ssyncset.done @!p1 $0x0  }
0x21: {  	s12 =	smov.u32 s16;
	s11 =	smov.u32 s15;
	[sflag:s14] =	ssyncadd.s32 @!p1 $0xFFFF3800  }
.LBB2_1:
0x22: {  	p1 =	sge.u32 s12, s8  }
0x23: {  	s14 =	sxor.u32 @!p1 $0xFFFFFFFF, s12  }
0x24: {  	s14 =	sand.u32 @!p1 $0x1, s14  }
0x25: {  	s14 =	smul.u32 @!p1 $0x640, s14  }
0x26: {  	s31 =	sadd.s32 $0xFFFFFFFF, s12;
	s15 =	sshrl.u32 @!p1 s11, $0x3  }
0x27: {  	s16 =	sand.u32 @!p1 $0x7, s11;
	s15 =	sadd.s32 @!p1 s5, s15;
	s14 =	sshrl.u32 @!p1 s14, $0x2  }
0x28: {  	[tilespmem:s14], [sflag:$0x2] =	stream.linear.gather @!p1 [hbm4b:s15+s16], $0x190, $0x38;
	[tilespmem:$0x19320] =	vst v63  }
0x29: {  	p1 =	sge.u32 s31, s8  }
.Ltmp2:
0x2a: {  	_ = 	snop;
	(pc) =	sbr.rel @p1 .LBB2_7-.Ltmp2, $1  }
0x2b: {  	_ =	sdelay $0x3  }
0x2c: {  	s14 =	simm.s32 $0x1  }
0x2d: {  	s14 =	simm.s32 @!p0 $0x0  }
0x2e: {  	s15 =	smul.u32 $0x640, s14  }
0x2f: {  	_ =	swait.ge [sflag:s7], $0x190  }
0x30: {  	[sflag:s7] =	ssyncset.done $0x0;
	s16 =	sshrl.u32 s15, $0x2  }
0x31: {  	[sflag:s7] =	ssyncadd.s32 $0xFFFFFE70;
	s15 =	sadd.s32 $0x0, s16  }
0x32: {  	v0 =	vld.msk [tilespmem:s15+$0x0 ss:$0x1], $0xffff;
	_ =	sdelay $0x4  }
0x33: {  	vm2 =	vgt.s32 v0, $0x0  }
0x34: {  	v0 =	vnsel vm2, $0x0, v0  }
0x35: {  	v0 =	vmin.u32 v0, $0x4E1F  }
0x36: {  	v0 =	vshll.u32 v0, $0x4  }
0x37: {  	s14 =	smul.u32 $0x32000, s14;
	_ =	sdelay $0x1  }
0x38: {  	s14 =	sshrl.u32 s14, $0x2  }
0x39: {  	s14 =	sor.u32 $0x320, s14  }
0x3a: {  	[tilespmem:s14], [sflag:$0x1] =	stream.indirect_vreg.gather [hbm:s4], $0x80, v0, vm0, $0x38;
	[tilespmem:$0x19320] =	vst v63  }
0x3b: {  	s17 =	sadd.s32 $0x10, s16;
	s15 =	sadd.s32 $0x400, s14  }
0x3c: {  	[tilespmem:s15], [sflag:$0x1] =	stream.indirect_vreg.gather [hbm:s4], $0x80, v0, vm1, $0x38;
	[tilespmem:$0x19320] =	vst v63  }
0x3d: {  	s18 =	simm.s32 $0x80;
	v0 =	vld.msk [tilespmem:s17+$0x0 ss:$0x1], $0xffff;
	s17 =	smov.u32 s14  }
.LBB2_3:
0x3e: {  	p1 =	sne.s32 s18, $0x600;
	_ =	sdelay $0x4  }
0x3f: {  	vm2 =	vgt.s32 v0, $0x0  }
0x40: {  	v0 =	vnsel vm2, $0x0, v0  }
0x41: {  	v0 =	vmin.u32 v0, $0x4E1F  }
0x42: {  	v0 =	vshll.u32 v0, $0x4;
	_ =	sdelay $0x3  }
.Ltmp3:
0x43: {  	s19 =	sshra.s32 s18, $0x2;
	s17 =	sadd.s32 $0x800, s17;
	(pc) =	sbr.rel @p1 .LBB2_3-.Ltmp3, $4  }
0x44: {  	[tilespmem:s17], [sflag:$0x1] =	stream.indirect_vreg.gather [hbm:s4], $0x80, v0, vm0, $0x38;
	[tilespmem:$0x19320] =	vst v63  }
0x45: {  	s19 =	sadd.s32 s19, s16;
	s20 =	sadd.s32 $0x400, s17  }
0x46: {  	[tilespmem:s20], [sflag:$0x1] =	stream.indirect_vreg.gather [hbm:s4], $0x80, v0, vm1, $0x38;
	[tilespmem:$0x19320] =	vst v63  }
0x47: {  	s18 =	sadd.s32 $0x40, s18;
	v0 =	vld.msk [tilespmem:s19+$0x0 ss:$0x1], $0xffff  }
0x48: {  	_ =	sdelay $0x3  }
0x49: {  	vm2 =	vgt.s32 v0, $0x0  }
0x4a: {  	v0 =	vnsel vm2, $0x0, v0  }
0x4b: {  	v0 =	vmin.u32 v0, $0x4E1F  }
0x4c: {  	v0 =	vshll.u32 v0, $0x4;
	_ =	sdelay $0x3  }
0x4d: {  	s16 =	sadd.s32 $0x800, s17  }
0x4e: {  	[tilespmem:s16], [sflag:$0x1] =	stream.indirect_vreg.gather [hbm:s4], $0x80, v0, vm0, $0x38;
	[tilespmem:$0x19320] =	vst v63  }
0x4f: {  	s16 =	sadd.s32 $0x400, s16  }
0x50: {  	[tilespmem:s16], [sflag:$0x1] =	stream.indirect_vreg.gather [hbm:s4], $0x80, v0, vm1, $0x38;
	[tilespmem:$0x19320] =	vst v63  }
0x51: {  	s13 =	sshll.u32 s13, $0x4;
	_ =	swait.ge [sflag:s6], $0xC800  }
0x52: {  	s13 =	sadd.s32 s13, s9;
	[sflag:s6] =	ssyncset.done $0x0  }
0x53: {  	s17 =	sadd.s32 $0x0, s13;
	s16 =	simm.s32 $0x80;
	[sflag:s6] =	ssyncadd.s32 $0xFFFF3800  }
.LBB2_5:
0x54: {  	[hbm:s17] =	stream.linear.scatter [tilespmem:s14], [sflag:$0x3], $0x400, $0x38;
	[tilespmem:$0x19320] =	vst v63  }
0x55: {  	s17 =	smov.u32 s16;
	s14 =	smov.u32 s15;
	p1 =	sne.s32 s16, $0x1880  }
.Ltmp4:
0x56: {  	s16 =	sadd.s32 $0x80, s16;
	(pc) =	sbr.rel @p1 .LBB2_5-.Ltmp4, $2  }
0x57: {  	_ =	sdelay $0x2  }
0x58: {  	s15 =	sadd.s32 $0x400, s15;
	s17 =	sadd.s32 s17, s13  }
.Ltmp5:
0x59: {  	_ = 	snop;
	(pc) =	sbr.rel .LBB2_6-.Ltmp5, $1  }
0x5a: {  	_ =	sdelay $0x3  }
.LBB2_8:
0x5b: {  	_ =	sfence.sel $0x180000  }
0x5c: {  	s1 =	simm.s32 $0x2;
	[bflag:$0x0] =	sbarrier.arrive $0xFFFF  }
0x5d: {  	s30 =	simm.s32 $0x3;
	[sflag:s1] =	ssyncpa.u1 $0x1  }
0x5e: {  	s31 =	simm.s32 $0x1;
	[sflag:s30] =	ssyncpa.u1 $0x1  }
0x5f: {  	[sflag:s31] =	ssyncpa.u1 $0x1  }
0x60: {  	p0 =	sne.s32 s0, $0x0;
	_ =	strace $0x90000047  }
0x61: {  	s0 =	sadd.s32 @!p0 $0x100000, s2;
	[bflag:$0x2] =	sbarrier.arrive $0xFFFF  }
0x62: {  	[sflag:s0] =	ssyncadd.tile.s32 @!p0 $0x1;
	_ =	shalt  }
.Lfunc_end2:
_tile_overlayer_lowered:
.L_overlay_start_2:
0x63: {  	(tag) =	ssettag $0x2  }
0x64: {  	s0 =	rddreg [dreg:$0x0];
	s2 =	stileid.u32  }
0x65: {  	s1 =	rddreg [dreg:$0x1];
	p0 =	sne.s32 s2, $0x0  }
0x66: {  	s3 =	rddreg [dreg:$0x2];
	[bflag:$0x3] =	sbarrier.arrive $0xFFFF;
	s2 =	simm.s32 @!p0 $0x1C01  }
0x67: {  	[timem:s3], [sflag:s2] =	dma.local @!p0 [hbm:s0], s1  }
0x68: {  	s0 =	simm.s32 @!p0 $0x1  }
0x69: {  	_ =	swait.ge @!p0 [sflag:s0], s1  }
0x6a: {  	s1 =	ssub.s32 @!p0 $0x0, s1;
	[sflag:s0] =	ssyncset.done @!p0 $0x0  }
0x6b: {  	[sflag:s0] =	ssyncadd.s32 @!p0 s1  }
0x6c: {  	[bflag:$0x3] =	sbarrier.arrive $0xFFFF  }
0x6d: {  	_ =	shalt  }

</sc_bundles>
